<compile_context>
chip_gen: v7x
topology: tpu7x:2x2x1
jax: 0.10.2.dev20260603
libtpu: 0.0.44.dev20260713+nightly
codegen_flags: <defaults>
</compile_context>

<pallas_src>
import functools

import jax
import jax.numpy as jnp
from jax import lax
from jax.experimental import pallas as pl
from jax.experimental.pallas import tpu as pltpu
from jax.experimental.pallas import tpu_sc as plsc


def _sc_embed(seq_len: int, d_model: int, n_rows: int):
    info = plsc.get_sparse_core_info()
    nc, ns, lanes = info.num_cores, info.num_subcores, info.num_lanes
    nw = nc * ns

    assert n_rows % (nw * seq_len) == 0
    seqs_per_w = n_rows // (nw * seq_len)
    assert d_model % lanes == 0
    d_vecs = d_model // lanes

    assert seq_len % 8 == 0 and seq_len <= 256
    split_a = min(104, seq_len)
    split_b = seq_len - split_a

    NBUF = 4
    assert seqs_per_w % NBUF == 0

    mesh = plsc.VectorSubcoreMesh(core_axis_name="c", subcore_axis_name="s")

    @functools.partial(
        pl.kernel,
        mesh=mesh,
        out_type=jax.ShapeDtypeStruct((n_rows, d_model), jnp.float32),
        scratch_types=[
            pltpu.VMEM((NBUF, 2, split_a), jnp.int32),
            pltpu.VMEM((NBUF, seq_len, d_model), jnp.float32),
            pltpu.VMEM((seq_len, d_model), jnp.float32),
        ]
        + [pltpu.SemaphoreType.DMA] * (2 * NBUF),
    )
    def k(idx_hbm, emb_hbm, pos_hbm, out_hbm, idx_v, rows_v, pos_v, *sems):
        sem_g = sems[:NBUF]
        sem_s = sems[NBUF:]
        wid = lax.axis_index("s") * nc + lax.axis_index("c")
        wbase = wid * (seqs_per_w * seq_len)

        pltpu.sync_copy(pos_hbm, pos_v)

        def load_idx_and_gather(g, b):
            base = wbase + g * seq_len
            pltpu.sync_copy(idx_hbm.at[pl.ds(base, split_a)], idx_v.at[b, 0])
            pltpu.async_copy(
                emb_hbm.at[idx_v.at[b, 0]],
                rows_v.at[b, pl.ds(0, split_a)],
                sem_g[b],
            )
            if split_b:
                pltpu.sync_copy(
                    idx_hbm.at[pl.ds(base + split_a, split_b)],
                    idx_v.at[b, 1, pl.ds(0, split_b)],
                )
                pltpu.async_copy(
                    emb_hbm.at[idx_v.at[b, 1, pl.ds(0, split_b)]],
                    rows_v.at[b, pl.ds(split_a, split_b)],
                    sem_g[b],
                )

        def wait_gather(b):
            pltpu.make_async_copy(
                emb_hbm.at[idx_v.at[b, 0]],
                rows_v.at[b, pl.ds(0, split_a)],
                sem_g[b],
            ).wait()
            if split_b:
                pltpu.make_async_copy(
                    emb_hbm.at[idx_v.at[b, 1, pl.ds(0, split_b)]],
                    rows_v.at[b, pl.ds(split_a, split_b)],
                    sem_g[b],
                ).wait()

        def wait_scatter(b):
            pltpu.make_async_copy(
                rows_v.at[b], out_hbm.at[pl.ds(0, seq_len)], sem_s[b]
            ).wait()

        for j in range(NBUF):
            load_idx_and_gather(jnp.int32(j), j)

        @pl.loop(0, seqs_per_w, step=NBUF)
        def chunk_loop(i0):
            for j in range(NBUF):
                i = i0 + j
                b = j
                wait_gather(b)

                @pl.loop(0, seq_len)
                def add_row(r):
                    for c in range(d_vecs):
                        sl = pl.ds(c * lanes, lanes)
                        rows_v[b, r, sl] = rows_v[b, r, sl] + pos_v[r, sl]

                pltpu.async_copy(
                    rows_v.at[b],
                    out_hbm.at[pl.ds((wbase + i * seq_len), seq_len)],
                    sem_s[b],
                )

                bp = (j - 1) % NBUF
                g = i - 1 + NBUF

                @pl.when(jnp.logical_and(i >= 1, g < seqs_per_w))
                def prefetch():
                    wait_scatter(bp)
                    load_idx_and_gather(g, bp)

        for b in range(NBUF):
            wait_scatter(b)

    return k


def kernel(inputs, emb_table, pos_table):
    bsz, seq_len = inputs.shape
    d_model = emb_table.shape[1]
    n_rows = bsz * seq_len
    idx_flat = inputs.reshape(n_rows).astype(jnp.int32)
    pos = pos_table[:seq_len].astype(jnp.float32)
    run = _sc_embed(seq_len, d_model, n_rows)
    out_flat = run(idx_flat, emb_table.astype(jnp.float32), pos)
    return out_flat.reshape(bsz, seq_len, d_model)

# --- scband reference (transcript-rebuilt; emitter-appended) ---
"""Pipeline reference for scband-perceiver-text-preprocessor-39891656245829 (READ-ONLY COPY).

The authoritative reference and input builder live on the scoring server;
editing this copy changes nothing except your own understanding.
"""

import jax, jax.numpy as jnp
import numpy as np

VOCAB = 100000
D_MODEL = 128
MAX_POS = 2048
BATCH = 4096
SEQ = 200


def setup_inputs(seed: int = 0) -> dict:
    key = jax.random.key(seed)
    k1, k2, k3 = jax.random.split(key, 3)
    inputs = jax.random.randint(k1, (BATCH, SEQ), 0, VOCAB, dtype=jnp.int64 if jax.config.jax_enable_x64 else jnp.int32)
    emb_table = jax.random.normal(k2, (VOCAB, D_MODEL), dtype=jnp.float32) * 0.02
    pos_table = jax.random.normal(k3, (MAX_POS, D_MODEL), dtype=jnp.float32) * 0.02
    return {"inputs": inputs, "emb_table": emb_table, "pos_table": pos_table}


def reference(inputs, emb_table, pos_table):
    # token embedding lookup: [B, S] -> [B, S, D]
    embeddings = jnp.take(emb_table, inputs, axis=0)
    seq_length = inputs.shape[1]
    position_ids = jnp.arange(0, seq_length)
    pos_emb = jnp.take(pos_table, position_ids, axis=0)  # [S, D]
    embeddings = embeddings + pos_emb[None, :, :]
    # original module returns (embeddings, None, None); return the array output
    return embeddings

if __name__ == "__main__":
    import jax
    _d = setup_inputs()
    print(jax.jit(kernel)(*tuple(_d.values())))

</pallas_src>

<mosaic_0001>
#map = affine_map<(d0, d1) -> (0)>
#map1 = affine_map<(d0, d1) -> (0, 0)>
module attributes {stable_mosaic.version = 14 : i64} {
  func.func @k(%arg0: i32, %arg1: i32, %arg2: memref<819200xi32, #tpu.memory_space<hbm>>, %arg3: memref<100000x128xf32, #tpu.memory_space<hbm>>, %arg4: memref<200x128xf32, #tpu.memory_space<hbm>>, %arg5: memref<819200x128xf32, #tpu.memory_space<hbm>>, %arg6: memref<4x2x104xi32, #tpu.memory_space<vmem>>, %arg7: memref<4x200x128xf32, #tpu.memory_space<vmem>>, %arg8: memref<200x128xf32, #tpu.memory_space<vmem>>, %arg9: memref<!tpu.dma_semaphore, #tpu.memory_space<semaphore_mem>>, %arg10: memref<!tpu.dma_semaphore, #tpu.memory_space<semaphore_mem>>, %arg11: memref<!tpu.dma_semaphore, #tpu.memory_space<semaphore_mem>>, %arg12: memref<!tpu.dma_semaphore, #tpu.memory_space<semaphore_mem>>, %arg13: memref<!tpu.dma_semaphore, #tpu.memory_space<semaphore_mem>>, %arg14: memref<!tpu.dma_semaphore, #tpu.memory_space<semaphore_mem>>, %arg15: memref<!tpu.dma_semaphore, #tpu.memory_space<semaphore_mem>>, %arg16: memref<!tpu.dma_semaphore, #tpu.memory_space<semaphore_mem>>) attributes {dimension_semantics = [#tpu.dimension_semantics<core_parallel>, #tpu.dimension_semantics<subcore_parallel>], iteration_bounds = array<i64: 2, 16>, scalar_prefetch = 0 : i64, scratch_operands = 11 : i64, tpu.core_type = #tpu.core_type<sc_vector_subcore>, window_params = [{transform_indices = #map}, {transform_indices = #map1}, {transform_indices = #map1}, {transform_indices = #map1}]} {
    %mul3A = arith.constant 2 : i32
    %mul3A_0 = arith.muli %arg1, %mul3A : i32
    %add3A = arith.addi %mul3A_0, %arg0 : i32
    %mul3A_1 = arith.constant 25600 : i32
    %mul3A_2 = arith.muli %add3A, %mul3A_1 : i32
    "tpu.region"() ({
      %run_scoped3A_208 = tpu.sem_alloc : memref<!tpu.dma_semaphore, #tpu.memory_space<semaphore_mem>>
      tpu.enqueue_dma source(%arg4 : memref<200x128xf32, #tpu.memory_space<hbm>>) target(%arg8 : memref<200x128xf32, #tpu.memory_space<vmem>>) target_semaphore(%run_scoped3A_208 : memref<!tpu.dma_semaphore, #tpu.memory_space<semaphore_mem>>)
      tpu.wait_dma2 semaphore(%run_scoped3A_208 : memref<!tpu.dma_semaphore, #tpu.memory_space<semaphore_mem>>) src(%arg4 : memref<200x128xf32, #tpu.memory_space<hbm>>) dst(%arg8 : memref<200x128xf32, #tpu.memory_space<vmem>>)
      tpu.yield
    }) : () -> ()
    %mul3A_3 = arith.constant 0 : i32
    %mul3A_4 = arith.constant 200 : i32
    %mul3A_5 = arith.muli %mul3A_3, %mul3A_4 : i32
    %add3A_6 = arith.addi %mul3A_2, %mul3A_5 : i32
    %run_scoped3A = arith.constant 0 : i32
    %run_scoped3A_7 = arith.constant 0 : i32
    "tpu.region"() ({
      %run_scoped3A_208 = tpu.sem_alloc : memref<!tpu.dma_semaphore, #tpu.memory_space<semaphore_mem>>
      %dma_start3A_209 = arith.constant 0 : i32
      %dma_start3A_210 = tpu.memref_slice %arg6[%run_scoped3A, %run_scoped3A_7, %dma_start3A_209] : memref<4x2x104xi32, #tpu.memory_space<vmem>> -> memref<1x1x104xi32, #tpu.memory_space<vmem>>
      %dma_start3A_211 = tpu.memref_squeeze %dma_start3A_210 : memref<1x1x104xi32, #tpu.memory_space<vmem>> -> memref<104xi32, #tpu.memory_space<vmem>>
      %dma_start3A_212 = tpu.memref_slice %arg2[%add3A_6] : memref<819200xi32, #tpu.memory_space<hbm>> -> memref<104xi32, #tpu.memory_space<hbm>>
      %dma_start3A_213 = arith.constant 0 : i32
      %dma_start3A_214 = tpu.memref_slice %arg6[%run_scoped3A, %run_scoped3A_7, %dma_start3A_213] : memref<4x2x104xi32, #tpu.memory_space<vmem>> -> memref<1x1x104xi32, #tpu.memory_space<vmem>>
      %dma_start3A_215 = tpu.memref_squeeze %dma_start3A_214 : memref<1x1x104xi32, #tpu.memory_space<vmem>> -> memref<104xi32, #tpu.memory_space<vmem>>
      %dma_start3A_216 = tpu.memref_slice %arg2[%add3A_6] : memref<819200xi32, #tpu.memory_space<hbm>> -> memref<104xi32, #tpu.memory_space<hbm>>
      tpu.enqueue_dma source(%dma_start3A_216 : memref<104xi32, #tpu.memory_space<hbm>>) target(%dma_start3A_215 : memref<104xi32, #tpu.memory_space<vmem>>) target_semaphore(%run_scoped3A_208 : memref<!tpu.dma_semaphore, #tpu.memory_space<semaphore_mem>>)
      %dma_wait3A_217 = arith.constant 0 : i32
      %dma_wait3A_218 = tpu.memref_slice %arg6[%run_scoped3A, %run_scoped3A_7, %dma_wait3A_217] : memref<4x2x104xi32, #tpu.memory_space<vmem>> -> memref<1x1x104xi32, #tpu.memory_space<vmem>>
      %dma_wait3A_219 = tpu.memref_squeeze %dma_wait3A_218 : memref<1x1x104xi32, #tpu.memory_space<vmem>> -> memref<104xi32, #tpu.memory_space<vmem>>
      %dma_wait3A_220 = tpu.memref_slice %arg2[%add3A_6] : memref<819200xi32, #tpu.memory_space<hbm>> -> memref<104xi32, #tpu.memory_space<hbm>>
      %dma_wait3A_221 = arith.constant 0 : i32
      %dma_wait3A_222 = tpu.memref_slice %arg6[%run_scoped3A, %run_scoped3A_7, %dma_wait3A_221] : memref<4x2x104xi32, #tpu.memory_space<vmem>> -> memref<1x1x104xi32, #tpu.memory_space<vmem>>
      %dma_wait3A_223 = tpu.memref_squeeze %dma_wait3A_222 : memref<1x1x104xi32, #tpu.memory_space<vmem>> -> memref<104xi32, #tpu.memory_space<vmem>>
      %dma_wait3A_224 = tpu.memref_slice %arg2[%add3A_6] : memref<819200xi32, #tpu.memory_space<hbm>> -> memref<104xi32, #tpu.memory_space<hbm>>
      tpu.wait_dma2 semaphore(%run_scoped3A_208 : memref<!tpu.dma_semaphore, #tpu.memory_space<semaphore_mem>>) src(%dma_wait3A_224 : memref<104xi32, #tpu.memory_space<hbm>>) dst(%dma_wait3A_223 : memref<104xi32, #tpu.memory_space<vmem>>)
      tpu.yield
    }) : () -> ()
    %dma_start3A = arith.constant 0 : i32
    %dma_start3A_8 = arith.constant 0 : i32
    %dma_start3A_9 = arith.constant 0 : i32
    %dma_start3A_10 = arith.constant 0 : i32
    %dma_start3A_11 = arith.constant 0 : i32
    %dma_start3A_12 = tpu.memref_slice %arg7[%dma_start3A_9, %dma_start3A_10, %dma_start3A_11] : memref<4x200x128xf32, #tpu.memory_space<vmem>> -> memref<1x104x128xf32, #tpu.memory_space<vmem>>
    %dma_start3A_13 = tpu.memref_squeeze %dma_start3A_12 : memref<1x104x128xf32, #tpu.memory_space<vmem>> -> memref<104x128xf32, #tpu.memory_space<vmem>>
    %dma_start3A_14 = arith.constant 0 : i32
    %dma_start3A_15 = tpu.memref_slice %arg6[%dma_start3A, %dma_start3A_8, %dma_start3A_14] : memref<4x2x104xi32, #tpu.memory_space<vmem>> -> memref<1x1x104xi32, #tpu.memory_space<vmem>>
    %dma_start3A_16 = tpu.memref_squeeze %dma_start3A_15 : memref<1x1x104xi32, #tpu.memory_space<vmem>> -> memref<104xi32, #tpu.memory_space<vmem>>
    %dma_start3A_17 = arith.constant 0 : i32
    %dma_start3A_18 = arith.constant 0 : i32
    %dma_start3A_19 = tpu.memref_slice %arg3[%dma_start3A_17, %dma_start3A_18] : memref<100000x128xf32, #tpu.memory_space<hbm>> -> memref<100000x128xf32, #tpu.memory_space<hbm>>
    tpu.enqueue_indirect_dma source(%dma_start3A_19 : memref<100000x128xf32, #tpu.memory_space<hbm>>) target(%dma_start3A_13 : memref<104x128xf32, #tpu.memory_space<vmem>>) offsets(%dma_start3A_16 : memref<104xi32, #tpu.memory_space<vmem>>) semaphore(%arg9 : memref<!tpu.dma_semaphore, #tpu.memory_space<semaphore_mem>>)
    %add3A_20 = arith.constant 104 : i32
    %add3A_21 = arith.addi %add3A_6, %add3A_20 : i32
    %run_scoped3A_22 = arith.constant 0 : i32
    %run_scoped3A_23 = arith.constant 1 : i32
    "tpu.region"() ({
      %run_scoped3A_208 = tpu.sem_alloc : memref<!tpu.dma_semaphore, #tpu.memory_space<semaphore_mem>>
      %dma_start3A_209 = arith.constant 0 : i32
      %dma_start3A_210 = tpu.memref_slice %arg6[%run_scoped3A_22, %run_scoped3A_23, %dma_start3A_209] : memref<4x2x104xi32, #tpu.memory_space<vmem>> -> memref<1x1x96xi32, #tpu.memory_space<vmem>>
      %dma_start3A_211 = tpu.memref_squeeze %dma_start3A_210 : memref<1x1x96xi32, #tpu.memory_space<vmem>> -> memref<96xi32, #tpu.memory_space<vmem>>
      %dma_start3A_212 = tpu.memref_slice %arg2[%add3A_21] : memref<819200xi32, #tpu.memory_space<hbm>> -> memref<96xi32, #tpu.memory_space<hbm>>
      %dma_start3A_213 = arith.constant 0 : i32
      %dma_start3A_214 = tpu.memref_slice %arg6[%run_scoped3A_22, %run_scoped3A_23, %dma_start3A_213] : memref<4x2x104xi32, #tpu.memory_space<vmem>> -> memref<1x1x96xi32, #tpu.memory_space<vmem>>
      %dma_start3A_215 = tpu.memref_squeeze %dma_start3A_214 : memref<1x1x96xi32, #tpu.memory_space<vmem>> -> memref<96xi32, #tpu.memory_space<vmem>>
      %dma_start3A_216 = tpu.memref_slice %arg2[%add3A_21] : memref<819200xi32, #tpu.memory_space<hbm>> -> memref<96xi32, #tpu.memory_space<hbm>>
      tpu.enqueue_dma source(%dma_start3A_216 : memref<96xi32, #tpu.memory_space<hbm>>) target(%dma_start3A_215 : memref<96xi32, #tpu.memory_space<vmem>>) target_semaphore(%run_scoped3A_208 : memref<!tpu.dma_semaphore, #tpu.memory_space<semaphore_mem>>)
      %dma_wait3A_217 = arith.constant 0 : i32
      %dma_wait3A_218 = tpu.memref_slice %arg6[%run_scoped3A_22, %run_scoped3A_23, %dma_wait3A_217] : memref<4x2x104xi32, #tpu.memory_space<vmem>> -> memref<1x1x96xi32, #tpu.memory_space<vmem>>
      %dma_wait3A_219 = tpu.memref_squeeze %dma_wait3A_218 : memref<1x1x96xi32, #tpu.memory_space<vmem>> -> memref<96xi32, #tpu.memory_space<vmem>>
      %dma_wait3A_220 = tpu.memref_slice %arg2[%add3A_21] : memref<819200xi32, #tpu.memory_space<hbm>> -> memref<96xi32, #tpu.memory_space<hbm>>
      %dma_wait3A_221 = arith.constant 0 : i32
      %dma_wait3A_222 = tpu.memref_slice %arg6[%run_scoped3A_22, %run_scoped3A_23, %dma_wait3A_221] : memref<4x2x104xi32, #tpu.memory_space<vmem>> -> memref<1x1x96xi32, #tpu.memory_space<vmem>>
      %dma_wait3A_223 = tpu.memref_squeeze %dma_wait3A_222 : memref<1x1x96xi32, #tpu.memory_space<vmem>> -> memref<96xi32, #tpu.memory_space<vmem>>
      %dma_wait3A_224 = tpu.memref_slice %arg2[%add3A_21] : memref<819200xi32, #tpu.memory_space<hbm>> -> memref<96xi32, #tpu.memory_space<hbm>>
      tpu.wait_dma2 semaphore(%run_scoped3A_208 : memref<!tpu.dma_semaphore, #tpu.memory_space<semaphore_mem>>) src(%dma_wait3A_224 : memref<96xi32, #tpu.memory_space<hbm>>) dst(%dma_wait3A_223 : memref<96xi32, #tpu.memory_space<vmem>>)
      tpu.yield
    }) : () -> ()
    %dma_start3A_24 = arith.constant 0 : i32
    %dma_start3A_25 = arith.constant 1 : i32
    %dma_start3A_26 = arith.constant 0 : i32
    %dma_start3A_27 = arith.constant 104 : i32
    %dma_start3A_28 = arith.constant 0 : i32
    %dma_start3A_29 = tpu.memref_slice %arg7[%dma_start3A_26, %dma_start3A_27, %dma_start3A_28] : memref<4x200x128xf32, #tpu.memory_space<vmem>> -> memref<1x96x128xf32, #tpu.memory_space<vmem>>
    %dma_start3A_30 = tpu.memref_squeeze %dma_start3A_29 : memref<1x96x128xf32, #tpu.memory_space<vmem>> -> memref<96x128xf32, #tpu.memory_space<vmem>>
    %dma_start3A_31 = arith.constant 0 : i32
    %dma_start3A_32 = tpu.memref_slice %arg6[%dma_start3A_24, %dma_start3A_25, %dma_start3A_31] : memref<4x2x104xi32, #tpu.memory_space<vmem>> -> memref<1x1x96xi32, #tpu.memory_space<vmem>>
    %dma_start3A_33 = tpu.memref_squeeze %dma_start3A_32 : memref<1x1x96xi32, #tpu.memory_space<vmem>> -> memref<96xi32, #tpu.memory_space<vmem>>
    %dma_start3A_34 = arith.constant 0 : i32
    %dma_start3A_35 = arith.constant 0 : i32
    %dma_start3A_36 = tpu.memref_slice %arg3[%dma_start3A_34, %dma_start3A_35] : memref<100000x128xf32, #tpu.memory_space<hbm>> -> memref<100000x128xf32, #tpu.memory_space<hbm>>
    tpu.enqueue_indirect_dma source(%dma_start3A_36 : memref<100000x128xf32, #tpu.memory_space<hbm>>) target(%dma_start3A_30 : memref<96x128xf32, #tpu.memory_space<vmem>>) offsets(%dma_start3A_33 : memref<96xi32, #tpu.memory_space<vmem>>) semaphore(%arg9 : memref<!tpu.dma_semaphore, #tpu.memory_space<semaphore_mem>>)
    %mul3A_37 = arith.constant 1 : i32
    %mul3A_38 = arith.constant 200 : i32
    %mul3A_39 = arith.muli %mul3A_37, %mul3A_38 : i32
    %add3A_40 = arith.addi %mul3A_2, %mul3A_39 : i32
    %run_scoped3A_41 = arith.constant 1 : i32
    %run_scoped3A_42 = arith.constant 0 : i32
    "tpu.region"() ({
      %run_scoped3A_208 = tpu.sem_alloc : memref<!tpu.dma_semaphore, #tpu.memory_space<semaphore_mem>>
      %dma_start3A_209 = arith.constant 0 : i32
      %dma_start3A_210 = tpu.memref_slice %arg6[%run_scoped3A_41, %run_scoped3A_42, %dma_start3A_209] : memref<4x2x104xi32, #tpu.memory_space<vmem>> -> memref<1x1x104xi32, #tpu.memory_space<vmem>>
      %dma_start3A_211 = tpu.memref_squeeze %dma_start3A_210 : memref<1x1x104xi32, #tpu.memory_space<vmem>> -> memref<104xi32, #tpu.memory_space<vmem>>
      %dma_start3A_212 = tpu.memref_slice %arg2[%add3A_40] : memref<819200xi32, #tpu.memory_space<hbm>> -> memref<104xi32, #tpu.memory_space<hbm>>
      %dma_start3A_213 = arith.constant 0 : i32
      %dma_start3A_214 = tpu.memref_slice %arg6[%run_scoped3A_41, %run_scoped3A_42, %dma_start3A_213] : memref<4x2x104xi32, #tpu.memory_space<vmem>> -> memref<1x1x104xi32, #tpu.memory_space<vmem>>
      %dma_start3A_215 = tpu.memref_squeeze %dma_start3A_214 : memref<1x1x104xi32, #tpu.memory_space<vmem>> -> memref<104xi32, #tpu.memory_space<vmem>>
      %dma_start3A_216 = tpu.memref_slice %arg2[%add3A_40] : memref<819200xi32, #tpu.memory_space<hbm>> -> memref<104xi32, #tpu.memory_space<hbm>>
      tpu.enqueue_dma source(%dma_start3A_216 : memref<104xi32, #tpu.memory_space<hbm>>) target(%dma_start3A_215 : memref<104xi32, #tpu.memory_space<vmem>>) target_semaphore(%run_scoped3A_208 : memref<!tpu.dma_semaphore, #tpu.memory_space<semaphore_mem>>)
      %dma_wait3A_217 = arith.constant 0 : i32
      %dma_wait3A_218 = tpu.memref_slice %arg6[%run_scoped3A_41, %run_scoped3A_42, %dma_wait3A_217] : memref<4x2x104xi32, #tpu.memory_space<vmem>> -> memref<1x1x104xi32, #tpu.memory_space<vmem>>
      %dma_wait3A_219 = tpu.memref_squeeze %dma_wait3A_218 : memref<1x1x104xi32, #tpu.memory_space<vmem>> -> memref<104xi32, #tpu.memory_space<vmem>>
      %dma_wait3A_220 = tpu.memref_slice %arg2[%add3A_40] : memref<819200xi32, #tpu.memory_space<hbm>> -> memref<104xi32, #tpu.memory_space<hbm>>
      %dma_wait3A_221 = arith.constant 0 : i32
      %dma_wait3A_222 = tpu.memref_slice %arg6[%run_scoped3A_41, %run_scoped3A_42, %dma_wait3A_221] : memref<4x2x104xi32, #tpu.memory_space<vmem>> -> memref<1x1x104xi32, #tpu.memory_space<vmem>>
      %dma_wait3A_223 = tpu.memref_squeeze %dma_wait3A_222 : memref<1x1x104xi32, #tpu.memory_space<vmem>> -> memref<104xi32, #tpu.memory_space<vmem>>
      %dma_wait3A_224 = tpu.memref_slice %arg2[%add3A_40] : memref<819200xi32, #tpu.memory_space<hbm>> -> memref<104xi32, #tpu.memory_space<hbm>>
      tpu.wait_dma2 semaphore(%run_scoped3A_208 : memref<!tpu.dma_semaphore, #tpu.memory_space<semaphore_mem>>) src(%dma_wait3A_224 : memref<104xi32, #tpu.memory_space<hbm>>) dst(%dma_wait3A_223 : memref<104xi32, #tpu.memory_space<vmem>>)
      tpu.yield
    }) : () -> ()
    %dma_start3A_43 = arith.constant 1 : i32
    %dma_start3A_44 = arith.constant 0 : i32
    %dma_start3A_45 = arith.constant 1 : i32
    %dma_start3A_46 = arith.constant 0 : i32
    %dma_start3A_47 = arith.constant 0 : i32
    %dma_start3A_48 = tpu.memref_slice %arg7[%dma_start3A_45, %dma_start3A_46, %dma_start3A_47] : memref<4x200x128xf32, #tpu.memory_space<vmem>> -> memref<1x104x128xf32, #tpu.memory_space<vmem>>
    %dma_start3A_49 = tpu.memref_squeeze %dma_start3A_48 : memref<1x104x128xf32, #tpu.memory_space<vmem>> -> memref<104x128xf32, #tpu.memory_space<vmem>>
    %dma_start3A_50 = arith.constant 0 : i32
    %dma_start3A_51 = tpu.memref_slice %arg6[%dma_start3A_43, %dma_start3A_44, %dma_start3A_50] : memref<4x2x104xi32, #tpu.memory_space<vmem>> -> memref<1x1x104xi32, #tpu.memory_space<vmem>>
    %dma_start3A_52 = tpu.memref_squeeze %dma_start3A_51 : memref<1x1x104xi32, #tpu.memory_space<vmem>> -> memref<104xi32, #tpu.memory_space<vmem>>
    %dma_start3A_53 = arith.constant 0 : i32
    %dma_start3A_54 = arith.constant 0 : i32
    %dma_start3A_55 = tpu.memref_slice %arg3[%dma_start3A_53, %dma_start3A_54] : memref<100000x128xf32, #tpu.memory_space<hbm>> -> memref<100000x128xf32, #tpu.memory_space<hbm>>
    tpu.enqueue_indirect_dma source(%dma_start3A_55 : memref<100000x128xf32, #tpu.memory_space<hbm>>) target(%dma_start3A_49 : memref<104x128xf32, #tpu.memory_space<vmem>>) offsets(%dma_start3A_52 : memref<104xi32, #tpu.memory_space<vmem>>) semaphore(%arg10 : memref<!tpu.dma_semaphore, #tpu.memory_space<semaphore_mem>>)
    %add3A_56 = arith.constant 104 : i32
    %add3A_57 = arith.addi %add3A_40, %add3A_56 : i32
    %run_scoped3A_58 = arith.constant 1 : i32
    %run_scoped3A_59 = arith.constant 1 : i32
    "tpu.region"() ({
      %run_scoped3A_208 = tpu.sem_alloc : memref<!tpu.dma_semaphore, #tpu.memory_space<semaphore_mem>>
      %dma_start3A_209 = arith.constant 0 : i32
      %dma_start3A_210 = tpu.memref_slice %arg6[%run_scoped3A_58, %run_scoped3A_59, %dma_start3A_209] : memref<4x2x104xi32, #tpu.memory_space<vmem>> -> memref<1x1x96xi32, #tpu.memory_space<vmem>>
      %dma_start3A_211 = tpu.memref_squeeze %dma_start3A_210 : memref<1x1x96xi32, #tpu.memory_space<vmem>> -> memref<96xi32, #tpu.memory_space<vmem>>
      %dma_start3A_212 = tpu.memref_slice %arg2[%add3A_57] : memref<819200xi32, #tpu.memory_space<hbm>> -> memref<96xi32, #tpu.memory_space<hbm>>
      %dma_start3A_213 = arith.constant 0 : i32
      %dma_start3A_214 = tpu.memref_slice %arg6[%run_scoped3A_58, %run_scoped3A_59, %dma_start3A_213] : memref<4x2x104xi32, #tpu.memory_space<vmem>> -> memref<1x1x96xi32, #tpu.memory_space<vmem>>
      %dma_start3A_215 = tpu.memref_squeeze %dma_start3A_214 : memref<1x1x96xi32, #tpu.memory_space<vmem>> -> memref<96xi32, #tpu.memory_space<vmem>>
      %dma_start3A_216 = tpu.memref_slice %arg2[%add3A_57] : memref<819200xi32, #tpu.memory_space<hbm>> -> memref<96xi32, #tpu.memory_space<hbm>>
      tpu.enqueue_dma source(%dma_start3A_216 : memref<96xi32, #tpu.memory_space<hbm>>) target(%dma_start3A_215 : memref<96xi32, #tpu.memory_space<vmem>>) target_semaphore(%run_scoped3A_208 : memref<!tpu.dma_semaphore, #tpu.memory_space<semaphore_mem>>)
      %dma_wait3A_217 = arith.constant 0 : i32
      %dma_wait3A_218 = tpu.memref_slice %arg6[%run_scoped3A_58, %run_scoped3A_59, %dma_wait3A_217] : memref<4x2x104xi32, #tpu.memory_space<vmem>> -> memref<1x1x96xi32, #tpu.memory_space<vmem>>
      %dma_wait3A_219 = tpu.memref_squeeze %dma_wait3A_218 : memref<1x1x96xi32, #tpu.memory_space<vmem>> -> memref<96xi32, #tpu.memory_space<vmem>>
      %dma_wait3A_220 = tpu.memref_slice %arg2[%add3A_57] : memref<819200xi32, #tpu.memory_space<hbm>> -> memref<96xi32, #tpu.memory_space<hbm>>
      %dma_wait3A_221 = arith.constant 0 : i32
      %dma_wait3A_222 = tpu.memref_slice %arg6[%run_scoped3A_58, %run_scoped3A_59, %dma_wait3A_221] : memref<4x2x104xi32, #tpu.memory_space<vmem>> -> memref<1x1x96xi32, #tpu.memory_space<vmem>>
      %dma_wait3A_223 = tpu.memref_squeeze %dma_wait3A_222 : memref<1x1x96xi32, #tpu.memory_space<vmem>> -> memref<96xi32, #tpu.memory_space<vmem>>
      %dma_wait3A_224 = tpu.memref_slice %arg2[%add3A_57] : memref<819200xi32, #tpu.memory_space<hbm>> -> memref<96xi32, #tpu.memory_space<hbm>>
      tpu.wait_dma2 semaphore(%run_scoped3A_208 : memref<!tpu.dma_semaphore, #tpu.memory_space<semaphore_mem>>) src(%dma_wait3A_224 : memref<96xi32, #tpu.memory_space<hbm>>) dst(%dma_wait3A_223 : memref<96xi32, #tpu.memory_space<vmem>>)
      tpu.yield
    }) : () -> ()
    %dma_start3A_60 = arith.constant 1 : i32
    %dma_start3A_61 = arith.constant 1 : i32
    %dma_start3A_62 = arith.constant 1 : i32
    %dma_start3A_63 = arith.constant 104 : i32
    %dma_start3A_64 = arith.constant 0 : i32
    %dma_start3A_65 = tpu.memref_slice %arg7[%dma_start3A_62, %dma_start3A_63, %dma_start3A_64] : memref<4x200x128xf32, #tpu.memory_space<vmem>> -> memref<1x96x128xf32, #tpu.memory_space<vmem>>
    %dma_start3A_66 = tpu.memref_squeeze %dma_start3A_65 : memref<1x96x128xf32, #tpu.memory_space<vmem>> -> memref<96x128xf32, #tpu.memory_space<vmem>>
    %dma_start3A_67 = arith.constant 0 : i32
    %dma_start3A_68 = tpu.memref_slice %arg6[%dma_start3A_60, %dma_start3A_61, %dma_start3A_67] : memref<4x2x104xi32, #tpu.memory_space<vmem>> -> memref<1x1x96xi32, #tpu.memory_space<vmem>>
    %dma_start3A_69 = tpu.memref_squeeze %dma_start3A_68 : memref<1x1x96xi32, #tpu.memory_space<vmem>> -> memref<96xi32, #tpu.memory_space<vmem>>
    %dma_start3A_70 = arith.constant 0 : i32
    %dma_start3A_71 = arith.constant 0 : i32
    %dma_start3A_72 = tpu.memref_slice %arg3[%dma_start3A_70, %dma_start3A_71] : memref<100000x128xf32, #tpu.memory_space<hbm>> -> memref<100000x128xf32, #tpu.memory_space<hbm>>
    tpu.enqueue_indirect_dma source(%dma_start3A_72 : memref<100000x128xf32, #tpu.memory_space<hbm>>) target(%dma_start3A_66 : memref<96x128xf32, #tpu.memory_space<vmem>>) offsets(%dma_start3A_69 : memref<96xi32, #tpu.memory_space<vmem>>) semaphore(%arg10 : memref<!tpu.dma_semaphore, #tpu.memory_space<semaphore_mem>>)
    %mul3A_73 = arith.constant 2 : i32
    %mul3A_74 = arith.constant 200 : i32
    %mul3A_75 = arith.muli %mul3A_73, %mul3A_74 : i32
    %add3A_76 = arith.addi %mul3A_2, %mul3A_75 : i32
    %run_scoped3A_77 = arith.constant 2 : i32
    %run_scoped3A_78 = arith.constant 0 : i32
    "tpu.region"() ({
      %run_scoped3A_208 = tpu.sem_alloc : memref<!tpu.dma_semaphore, #tpu.memory_space<semaphore_mem>>
      %dma_start3A_209 = arith.constant 0 : i32
      %dma_start3A_210 = tpu.memref_slice %arg6[%run_scoped3A_77, %run_scoped3A_78, %dma_start3A_209] : memref<4x2x104xi32, #tpu.memory_space<vmem>> -> memref<1x1x104xi32, #tpu.memory_space<vmem>>
      %dma_start3A_211 = tpu.memref_squeeze %dma_start3A_210 : memref<1x1x104xi32, #tpu.memory_space<vmem>> -> memref<104xi32, #tpu.memory_space<vmem>>
      %dma_start3A_212 = tpu.memref_slice %arg2[%add3A_76] : memref<819200xi32, #tpu.memory_space<hbm>> -> memref<104xi32, #tpu.memory_space<hbm>>
      %dma_start3A_213 = arith.constant 0 : i32
      %dma_start3A_214 = tpu.memref_slice %arg6[%run_scoped3A_77, %run_scoped3A_78, %dma_start3A_213] : memref<4x2x104xi32, #tpu.memory_space<vmem>> -> memref<1x1x104xi32, #tpu.memory_space<vmem>>
      %dma_start3A_215 = tpu.memref_squeeze %dma_start3A_214 : memref<1x1x104xi32, #tpu.memory_space<vmem>> -> memref<104xi32, #tpu.memory_space<vmem>>
      %dma_start3A_216 = tpu.memref_slice %arg2[%add3A_76] : memref<819200xi32, #tpu.memory_space<hbm>> -> memref<104xi32, #tpu.memory_space<hbm>>
      tpu.enqueue_dma source(%dma_start3A_216 : memref<104xi32, #tpu.memory_space<hbm>>) target(%dma_start3A_215 : memref<104xi32, #tpu.memory_space<vmem>>) target_semaphore(%run_scoped3A_208 : memref<!tpu.dma_semaphore, #tpu.memory_space<semaphore_mem>>)
      %dma_wait3A_217 = arith.constant 0 : i32
      %dma_wait3A_218 = tpu.memref_slice %arg6[%run_scoped3A_77, %run_scoped3A_78, %dma_wait3A_217] : memref<4x2x104xi32, #tpu.memory_space<vmem>> -> memref<1x1x104xi32, #tpu.memory_space<vmem>>
      %dma_wait3A_219 = tpu.memref_squeeze %dma_wait3A_218 : memref<1x1x104xi32, #tpu.memory_space<vmem>> -> memref<104xi32, #tpu.memory_space<vmem>>
      %dma_wait3A_220 = tpu.memref_slice %arg2[%add3A_76] : memref<819200xi32, #tpu.memory_space<hbm>> -> memref<104xi32, #tpu.memory_space<hbm>>
      %dma_wait3A_221 = arith.constant 0 : i32
      %dma_wait3A_222 = tpu.memref_slice %arg6[%run_scoped3A_77, %run_scoped3A_78, %dma_wait3A_221] : memref<4x2x104xi32, #tpu.memory_space<vmem>> -> memref<1x1x104xi32, #tpu.memory_space<vmem>>
      %dma_wait3A_223 = tpu.memref_squeeze %dma_wait3A_222 : memref<1x1x104xi32, #tpu.memory_space<vmem>> -> memref<104xi32, #tpu.memory_space<vmem>>
      %dma_wait3A_224 = tpu.memref_slice %arg2[%add3A_76] : memref<819200xi32, #tpu.memory_space<hbm>> -> memref<104xi32, #tpu.memory_space<hbm>>
      tpu.wait_dma2 semaphore(%run_scoped3A_208 : memref<!tpu.dma_semaphore, #tpu.memory_space<semaphore_mem>>) src(%dma_wait3A_224 : memref<104xi32, #tpu.memory_space<hbm>>) dst(%dma_wait3A_223 : memref<104xi32, #tpu.memory_space<vmem>>)
      tpu.yield
    }) : () -> ()
    %dma_start3A_79 = arith.constant 2 : i32
    %dma_start3A_80 = arith.constant 0 : i32
    %dma_start3A_81 = arith.constant 2 : i32
    %dma_start3A_82 = arith.constant 0 : i32
    %dma_start3A_83 = arith.constant 0 : i32
    %dma_start3A_84 = tpu.memref_slice %arg7[%dma_start3A_81, %dma_start3A_82, %dma_start3A_83] : memref<4x200x128xf32, #tpu.memory_space<vmem>> -> memref<1x104x128xf32, #tpu.memory_space<vmem>>
    %dma_start3A_85 = tpu.memref_squeeze %dma_start3A_84 : memref<1x104x128xf32, #tpu.memory_space<vmem>> -> memref<104x128xf32, #tpu.memory_space<vmem>>
    %dma_start3A_86 = arith.constant 0 : i32
    %dma_start3A_87 = tpu.memref_slice %arg6[%dma_start3A_79, %dma_start3A_80, %dma_start3A_86] : memref<4x2x104xi32, #tpu.memory_space<vmem>> -> memref<1x1x104xi32, #tpu.memory_space<vmem>>
    %dma_start3A_88 = tpu.memref_squeeze %dma_start3A_87 : memref<1x1x104xi32, #tpu.memory_space<vmem>> -> memref<104xi32, #tpu.memory_space<vmem>>
    %dma_start3A_89 = arith.constant 0 : i32
    %dma_start3A_90 = arith.constant 0 : i32
    %dma_start3A_91 = tpu.memref_slice %arg3[%dma_start3A_89, %dma_start3A_90] : memref<100000x128xf32, #tpu.memory_space<hbm>> -> memref<100000x128xf32, #tpu.memory_space<hbm>>
    tpu.enqueue_indirect_dma source(%dma_start3A_91 : memref<100000x128xf32, #tpu.memory_space<hbm>>) target(%dma_start3A_85 : memref<104x128xf32, #tpu.memory_space<vmem>>) offsets(%dma_start3A_88 : memref<104xi32, #tpu.memory_space<vmem>>) semaphore(%arg11 : memref<!tpu.dma_semaphore, #tpu.memory_space<semaphore_mem>>)
    %add3A_92 = arith.constant 104 : i32
    %add3A_93 = arith.addi %add3A_76, %add3A_92 : i32
    %run_scoped3A_94 = arith.constant 2 : i32
    %run_scoped3A_95 = arith.constant 1 : i32
    "tpu.region"() ({
      %run_scoped3A_208 = tpu.sem_alloc : memref<!tpu.dma_semaphore, #tpu.memory_space<semaphore_mem>>
      %dma_start3A_209 = arith.constant 0 : i32
      %dma_start3A_210 = tpu.memref_slice %arg6[%run_scoped3A_94, %run_scoped3A_95, %dma_start3A_209] : memref<4x2x104xi32, #tpu.memory_space<vmem>> -> memref<1x1x96xi32, #tpu.memory_space<vmem>>
      %dma_start3A_211 = tpu.memref_squeeze %dma_start3A_210 : memref<1x1x96xi32, #tpu.memory_space<vmem>> -> memref<96xi32, #tpu.memory_space<vmem>>
      %dma_start3A_212 = tpu.memref_slice %arg2[%add3A_93] : memref<819200xi32, #tpu.memory_space<hbm>> -> memref<96xi32, #tpu.memory_space<hbm>>
      %dma_start3A_213 = arith.constant 0 : i32
      %dma_start3A_214 = tpu.memref_slice %arg6[%run_scoped3A_94, %run_scoped3A_95, %dma_start3A_213] : memref<4x2x104xi32, #tpu.memory_space<vmem>> -> memref<1x1x96xi32, #tpu.memory_space<vmem>>
      %dma_start3A_215 = tpu.memref_squeeze %dma_start3A_214 : memref<1x1x96xi32, #tpu.memory_space<vmem>> -> memref<96xi32, #tpu.memory_space<vmem>>
      %dma_start3A_216 = tpu.memref_slice %arg2[%add3A_93] : memref<819200xi32, #tpu.memory_space<hbm>> -> memref<96xi32, #tpu.memory_space<hbm>>
      tpu.enqueue_dma source(%dma_start3A_216 : memref<96xi32, #tpu.memory_space<hbm>>) target(%dma_start3A_215 : memref<96xi32, #tpu.memory_space<vmem>>) target_semaphore(%run_scoped3A_208 : memref<!tpu.dma_semaphore, #tpu.memory_space<semaphore_mem>>)
      %dma_wait3A_217 = arith.constant 0 : i32
      %dma_wait3A_218 = tpu.memref_slice %arg6[%run_scoped3A_94, %run_scoped3A_95, %dma_wait3A_217] : memref<4x2x104xi32, #tpu.memory_space<vmem>> -> memref<1x1x96xi32, #tpu.memory_space<vmem>>
      %dma_wait3A_219 = tpu.memref_squeeze %dma_wait3A_218 : memref<1x1x96xi32, #tpu.memory_space<vmem>> -> memref<96xi32, #tpu.memory_space<vmem>>
      %dma_wait3A_220 = tpu.memref_slice %arg2[%add3A_93] : memref<819200xi32, #tpu.memory_space<hbm>> -> memref<96xi32, #tpu.memory_space<hbm>>
      %dma_wait3A_221 = arith.constant 0 : i32
      %dma_wait3A_222 = tpu.memref_slice %arg6[%run_scoped3A_94, %run_scoped3A_95, %dma_wait3A_221] : memref<4x2x104xi32, #tpu.memory_space<vmem>> -> memref<1x1x96xi32, #tpu.memory_space<vmem>>
      %dma_wait3A_223 = tpu.memref_squeeze %dma_wait3A_222 : memref<1x1x96xi32, #tpu.memory_space<vmem>> -> memref<96xi32, #tpu.memory_space<vmem>>
      %dma_wait3A_224 = tpu.memref_slice %arg2[%add3A_93] : memref<819200xi32, #tpu.memory_space<hbm>> -> memref<96xi32, #tpu.memory_space<hbm>>
      tpu.wait_dma2 semaphore(%run_scoped3A_208 : memref<!tpu.dma_semaphore, #tpu.memory_space<semaphore_mem>>) src(%dma_wait3A_224 : memref<96xi32, #tpu.memory_space<hbm>>) dst(%dma_wait3A_223 : memref<96xi32, #tpu.memory_space<vmem>>)
      tpu.yield
    }) : () -> ()
    %dma_start3A_96 = arith.constant 2 : i32
    %dma_start3A_97 = arith.constant 1 : i32
    %dma_start3A_98 = arith.constant 2 : i32
    %dma_start3A_99 = arith.constant 104 : i32
    %dma_start3A_100 = arith.constant 0 : i32
    %dma_start3A_101 = tpu.memref_slice %arg7[%dma_start3A_98, %dma_start3A_99, %dma_start3A_100] : memref<4x200x128xf32, #tpu.memory_space<vmem>> -> memref<1x96x128xf32, #tpu.memory_space<vmem>>
    %dma_start3A_102 = tpu.memref_squeeze %dma_start3A_101 : memref<1x96x128xf32, #tpu.memory_space<vmem>> -> memref<96x128xf32, #tpu.memory_space<vmem>>
    %dma_start3A_103 = arith.constant 0 : i32
    %dma_start3A_104 = tpu.memref_slice %arg6[%dma_start3A_96, %dma_start3A_97, %dma_start3A_103] : memref<4x2x104xi32, #tpu.memory_space<vmem>> -> memref<1x1x96xi32, #tpu.memory_space<vmem>>
    %dma_start3A_105 = tpu.memref_squeeze %dma_start3A_104 : memref<1x1x96xi32, #tpu.memory_space<vmem>> -> memref<96xi32, #tpu.memory_space<vmem>>
    %dma_start3A_106 = arith.constant 0 : i32
    %dma_start3A_107 = arith.constant 0 : i32
    %dma_start3A_108 = tpu.memref_slice %arg3[%dma_start3A_106, %dma_start3A_107] : memref<100000x128xf32, #tpu.memory_space<hbm>> -> memref<100000x128xf32, #tpu.memory_space<hbm>>
    tpu.enqueue_indirect_dma source(%dma_start3A_108 : memref<100000x128xf32, #tpu.memory_space<hbm>>) target(%dma_start3A_102 : memref<96x128xf32, #tpu.memory_space<vmem>>) offsets(%dma_start3A_105 : memref<96xi32, #tpu.memory_space<vmem>>) semaphore(%arg11 : memref<!tpu.dma_semaphore, #tpu.memory_space<semaphore_mem>>)
    %mul3A_109 = arith.constant 3 : i32
    %mul3A_110 = arith.constant 200 : i32
    %mul3A_111 = arith.muli %mul3A_109, %mul3A_110 : i32
    %add3A_112 = arith.addi %mul3A_2, %mul3A_111 : i32
    %run_scoped3A_113 = arith.constant 3 : i32
    %run_scoped3A_114 = arith.constant 0 : i32
    "tpu.region"() ({
      %run_scoped3A_208 = tpu.sem_alloc : memref<!tpu.dma_semaphore, #tpu.memory_space<semaphore_mem>>
      %dma_start3A_209 = arith.constant 0 : i32
      %dma_start3A_210 = tpu.memref_slice %arg6[%run_scoped3A_113, %run_scoped3A_114, %dma_start3A_209] : memref<4x2x104xi32, #tpu.memory_space<vmem>> -> memref<1x1x104xi32, #tpu.memory_space<vmem>>
      %dma_start3A_211 = tpu.memref_squeeze %dma_start3A_210 : memref<1x1x104xi32, #tpu.memory_space<vmem>> -> memref<104xi32, #tpu.memory_space<vmem>>
      %dma_start3A_212 = tpu.memref_slice %arg2[%add3A_112] : memref<819200xi32, #tpu.memory_space<hbm>> -> memref<104xi32, #tpu.memory_space<hbm>>
      %dma_start3A_213 = arith.constant 0 : i32
      %dma_start3A_214 = tpu.memref_slice %arg6[%run_scoped3A_113, %run_scoped3A_114, %dma_start3A_213] : memref<4x2x104xi32, #tpu.memory_space<vmem>> -> memref<1x1x104xi32, #tpu.memory_space<vmem>>
      %dma_start3A_215 = tpu.memref_squeeze %dma_start3A_214 : memref<1x1x104xi32, #tpu.memory_space<vmem>> -> memref<104xi32, #tpu.memory_space<vmem>>
      %dma_start3A_216 = tpu.memref_slice %arg2[%add3A_112] : memref<819200xi32, #tpu.memory_space<hbm>> -> memref<104xi32, #tpu.memory_space<hbm>>
      tpu.enqueue_dma source(%dma_start3A_216 : memref<104xi32, #tpu.memory_space<hbm>>) target(%dma_start3A_215 : memref<104xi32, #tpu.memory_space<vmem>>) target_semaphore(%run_scoped3A_208 : memref<!tpu.dma_semaphore, #tpu.memory_space<semaphore_mem>>)
      %dma_wait3A_217 = arith.constant 0 : i32
      %dma_wait3A_218 = tpu.memref_slice %arg6[%run_scoped3A_113, %run_scoped3A_114, %dma_wait3A_217] : memref<4x2x104xi32, #tpu.memory_space<vmem>> -> memref<1x1x104xi32, #tpu.memory_space<vmem>>
      %dma_wait3A_219 = tpu.memref_squeeze %dma_wait3A_218 : memref<1x1x104xi32, #tpu.memory_space<vmem>> -> memref<104xi32, #tpu.memory_space<vmem>>
      %dma_wait3A_220 = tpu.memref_slice %arg2[%add3A_112] : memref<819200xi32, #tpu.memory_space<hbm>> -> memref<104xi32, #tpu.memory_space<hbm>>
      %dma_wait3A_221 = arith.constant 0 : i32
      %dma_wait3A_222 = tpu.memref_slice %arg6[%run_scoped3A_113, %run_scoped3A_114, %dma_wait3A_221] : memref<4x2x104xi32, #tpu.memory_space<vmem>> -> memref<1x1x104xi32, #tpu.memory_space<vmem>>
      %dma_wait3A_223 = tpu.memref_squeeze %dma_wait3A_222 : memref<1x1x104xi32, #tpu.memory_space<vmem>> -> memref<104xi32, #tpu.memory_space<vmem>>
      %dma_wait3A_224 = tpu.memref_slice %arg2[%add3A_112] : memref<819200xi32, #tpu.memory_space<hbm>> -> memref<104xi32, #tpu.memory_space<hbm>>
      tpu.wait_dma2 semaphore(%run_scoped3A_208 : memref<!tpu.dma_semaphore, #tpu.memory_space<semaphore_mem>>) src(%dma_wait3A_224 : memref<104xi32, #tpu.memory_space<hbm>>) dst(%dma_wait3A_223 : memref<104xi32, #tpu.memory_space<vmem>>)
      tpu.yield
    }) : () -> ()
    %dma_start3A_115 = arith.constant 3 : i32
    %dma_start3A_116 = arith.constant 0 : i32
    %dma_start3A_117 = arith.constant 3 : i32
    %dma_start3A_118 = arith.constant 0 : i32
    %dma_start3A_119 = arith.constant 0 : i32
    %dma_start3A_120 = tpu.memref_slice %arg7[%dma_start3A_117, %dma_start3A_118, %dma_start3A_119] : memref<4x200x128xf32, #tpu.memory_space<vmem>> -> memref<1x104x128xf32, #tpu.memory_space<vmem>>
    %dma_start3A_121 = tpu.memref_squeeze %dma_start3A_120 : memref<1x104x128xf32, #tpu.memory_space<vmem>> -> memref<104x128xf32, #tpu.memory_space<vmem>>
    %dma_start3A_122 = arith.constant 0 : i32
    %dma_start3A_123 = tpu.memref_slice %arg6[%dma_start3A_115, %dma_start3A_116, %dma_start3A_122] : memref<4x2x104xi32, #tpu.memory_space<vmem>> -> memref<1x1x104xi32, #tpu.memory_space<vmem>>
    %dma_start3A_124 = tpu.memref_squeeze %dma_start3A_123 : memref<1x1x104xi32, #tpu.memory_space<vmem>> -> memref<104xi32, #tpu.memory_space<vmem>>
    %dma_start3A_125 = arith.constant 0 : i32
    %dma_start3A_126 = arith.constant 0 : i32
    %dma_start3A_127 = tpu.memref_slice %arg3[%dma_start3A_125, %dma_start3A_126] : memref<100000x128xf32, #tpu.memory_space<hbm>> -> memref<100000x128xf32, #tpu.memory_space<hbm>>
    tpu.enqueue_indirect_dma source(%dma_start3A_127 : memref<100000x128xf32, #tpu.memory_space<hbm>>) target(%dma_start3A_121 : memref<104x128xf32, #tpu.memory_space<vmem>>) offsets(%dma_start3A_124 : memref<104xi32, #tpu.memory_space<vmem>>) semaphore(%arg12 : memref<!tpu.dma_semaphore, #tpu.memory_space<semaphore_mem>>)
    %add3A_128 = arith.constant 104 : i32
    %add3A_129 = arith.addi %add3A_112, %add3A_128 : i32
    %run_scoped3A_130 = arith.constant 3 : i32
    %run_scoped3A_131 = arith.constant 1 : i32
    "tpu.region"() ({
      %run_scoped3A_208 = tpu.sem_alloc : memref<!tpu.dma_semaphore, #tpu.memory_space<semaphore_mem>>
      %dma_start3A_209 = arith.constant 0 : i32
      %dma_start3A_210 = tpu.memref_slice %arg6[%run_scoped3A_130, %run_scoped3A_131, %dma_start3A_209] : memref<4x2x104xi32, #tpu.memory_space<vmem>> -> memref<1x1x96xi32, #tpu.memory_space<vmem>>
      %dma_start3A_211 = tpu.memref_squeeze %dma_start3A_210 : memref<1x1x96xi32, #tpu.memory_space<vmem>> -> memref<96xi32, #tpu.memory_space<vmem>>
      %dma_start3A_212 = tpu.memref_slice %arg2[%add3A_129] : memref<819200xi32, #tpu.memory_space<hbm>> -> memref<96xi32, #tpu.memory_space<hbm>>
      %dma_start3A_213 = arith.constant 0 : i32
      %dma_start3A_214 = tpu.memref_slice %arg6[%run_scoped3A_130, %run_scoped3A_131, %dma_start3A_213] : memref<4x2x104xi32, #tpu.memory_space<vmem>> -> memref<1x1x96xi32, #tpu.memory_space<vmem>>
      %dma_start3A_215 = tpu.memref_squeeze %dma_start3A_214 : memref<1x1x96xi32, #tpu.memory_space<vmem>> -> memref<96xi32, #tpu.memory_space<vmem>>
      %dma_start3A_216 = tpu.memref_slice %arg2[%add3A_129] : memref<819200xi32, #tpu.memory_space<hbm>> -> memref<96xi32, #tpu.memory_space<hbm>>
      tpu.enqueue_dma source(%dma_start3A_216 : memref<96xi32, #tpu.memory_space<hbm>>) target(%dma_start3A_215 : memref<96xi32, #tpu.memory_space<vmem>>) target_semaphore(%run_scoped3A_208 : memref<!tpu.dma_semaphore, #tpu.memory_space<semaphore_mem>>)
      %dma_wait3A_217 = arith.constant 0 : i32
      %dma_wait3A_218 = tpu.memref_slice %arg6[%run_scoped3A_130, %run_scoped3A_131, %dma_wait3A_217] : memref<4x2x104xi32, #tpu.memory_space<vmem>> -> memref<1x1x96xi32, #tpu.memory_space<vmem>>
      %dma_wait3A_219 = tpu.memref_squeeze %dma_wait3A_218 : memref<1x1x96xi32, #tpu.memory_space<vmem>> -> memref<96xi32, #tpu.memory_space<vmem>>
      %dma_wait3A_220 = tpu.memref_slice %arg2[%add3A_129] : memref<819200xi32, #tpu.memory_space<hbm>> -> memref<96xi32, #tpu.memory_space<hbm>>
      %dma_wait3A_221 = arith.constant 0 : i32
      %dma_wait3A_222 = tpu.memref_slice %arg6[%run_scoped3A_130, %run_scoped3A_131, %dma_wait3A_221] : memref<4x2x104xi32, #tpu.memory_space<vmem>> -> memref<1x1x96xi32, #tpu.memory_space<vmem>>
      %dma_wait3A_223 = tpu.memref_squeeze %dma_wait3A_222 : memref<1x1x96xi32, #tpu.memory_space<vmem>> -> memref<96xi32, #tpu.memory_space<vmem>>
      %dma_wait3A_224 = tpu.memref_slice %arg2[%add3A_129] : memref<819200xi32, #tpu.memory_space<hbm>> -> memref<96xi32, #tpu.memory_space<hbm>>
      tpu.wait_dma2 semaphore(%run_scoped3A_208 : memref<!tpu.dma_semaphore, #tpu.memory_space<semaphore_mem>>) src(%dma_wait3A_224 : memref<96xi32, #tpu.memory_space<hbm>>) dst(%dma_wait3A_223 : memref<96xi32, #tpu.memory_space<vmem>>)
      tpu.yield
    }) : () -> ()
    %dma_start3A_132 = arith.constant 3 : i32
    %dma_start3A_133 = arith.constant 1 : i32
    %dma_start3A_134 = arith.constant 3 : i32
    %dma_start3A_135 = arith.constant 104 : i32
    %dma_start3A_136 = arith.constant 0 : i32
    %dma_start3A_137 = tpu.memref_slice %arg7[%dma_start3A_134, %dma_start3A_135, %dma_start3A_136] : memref<4x200x128xf32, #tpu.memory_space<vmem>> -> memref<1x96x128xf32, #tpu.memory_space<vmem>>
    %dma_start3A_138 = tpu.memref_squeeze %dma_start3A_137 : memref<1x96x128xf32, #tpu.memory_space<vmem>> -> memref<96x128xf32, #tpu.memory_space<vmem>>
    %dma_start3A_139 = arith.constant 0 : i32
    %dma_start3A_140 = tpu.memref_slice %arg6[%dma_start3A_132, %dma_start3A_133, %dma_start3A_139] : memref<4x2x104xi32, #tpu.memory_space<vmem>> -> memref<1x1x96xi32, #tpu.memory_space<vmem>>
    %dma_start3A_141 = tpu.memref_squeeze %dma_start3A_140 : memref<1x1x96xi32, #tpu.memory_space<vmem>> -> memref<96xi32, #tpu.memory_space<vmem>>
    %dma_start3A_142 = arith.constant 0 : i32
    %dma_start3A_143 = arith.constant 0 : i32
    %dma_start3A_144 = tpu.memref_slice %arg3[%dma_start3A_142, %dma_start3A_143] : memref<100000x128xf32, #tpu.memory_space<hbm>> -> memref<100000x128xf32, #tpu.memory_space<hbm>>
    tpu.enqueue_indirect_dma source(%dma_start3A_144 : memref<100000x128xf32, #tpu.memory_space<hbm>>) target(%dma_start3A_138 : memref<96x128xf32, #tpu.memory_space<vmem>>) offsets(%dma_start3A_141 : memref<96xi32, #tpu.memory_space<vmem>>) semaphore(%arg12 : memref<!tpu.dma_semaphore, #tpu.memory_space<semaphore_mem>>)
    %scan3A = arith.constant 0 : i32
    %scan3A_145 = arith.constant 32 : i32
    %scan3A_146 = arith.addi %scan3A, %scan3A_145 : i32
    %scan3A_147 = arith.constant 1 : i32
    scf.for %scan3A_208 = %scan3A to %scan3A_146 step %scan3A_147  : i32 {
      %mul3A_209 = arith.constant 4 : i32
      %mul3A_210 = arith.muli %scan3A_208, %mul3A_209 : i32
      %add3A_211 = arith.constant 0 : i32
      %add3A_212 = arith.addi %add3A_211, %mul3A_210 : i32
      %add3A_213 = arith.constant 0 : i32
      %add3A_214 = arith.addi %add3A_212, %add3A_213 : i32
      %dma_wait3A_215 = arith.constant 0 : i32
      %dma_wait3A_216 = arith.constant 0 : i32
      %dma_wait3A_217 = arith.constant 0 : i32
      %dma_wait3A_218 = arith.constant 0 : i32
      %dma_wait3A_219 = arith.constant 0 : i32
      %dma_wait3A_220 = tpu.memref_slice %arg7[%dma_wait3A_217, %dma_wait3A_218, %dma_wait3A_219] : memref<4x200x128xf32, #tpu.memory_space<vmem>> -> memref<1x104x128xf32, #tpu.memory_space<vmem>>
      %dma_wait3A_221 = tpu.memref_squeeze %dma_wait3A_220 : memref<1x104x128xf32, #tpu.memory_space<vmem>> -> memref<104x128xf32, #tpu.memory_space<vmem>>
      %dma_wait3A_222 = arith.constant 0 : i32
      %dma_wait3A_223 = tpu.memref_slice %arg6[%dma_wait3A_215, %dma_wait3A_216, %dma_wait3A_222] : memref<4x2x104xi32, #tpu.memory_space<vmem>> -> memref<1x1x104xi32, #tpu.memory_space<vmem>>
      %dma_wait3A_224 = tpu.memref_squeeze %dma_wait3A_223 : memref<1x1x104xi32, #tpu.memory_space<vmem>> -> memref<104xi32, #tpu.memory_space<vmem>>
      %dma_wait3A_225 = arith.constant 0 : i32
      %dma_wait3A_226 = arith.constant 0 : i32
      %dma_wait3A_227 = tpu.memref_slice %arg3[%dma_wait3A_225, %dma_wait3A_226] : memref<100000x128xf32, #tpu.memory_space<hbm>> -> memref<100000x128xf32, #tpu.memory_space<hbm>>
      tpu.wait_indirect_dma semaphore(%arg9 : memref<!tpu.dma_semaphore, #tpu.memory_space<semaphore_mem>>) src(%dma_wait3A_227 : memref<100000x128xf32, #tpu.memory_space<hbm>>) dst(%dma_wait3A_221 : memref<104x128xf32, #tpu.memory_space<vmem>>)
      %dma_wait3A_228 = arith.constant 0 : i32
      %dma_wait3A_229 = arith.constant 1 : i32
      %dma_wait3A_230 = arith.constant 0 : i32
      %dma_wait3A_231 = arith.constant 104 : i32
      %dma_wait3A_232 = arith.constant 0 : i32
      %dma_wait3A_233 = tpu.memref_slice %arg7[%dma_wait3A_230, %dma_wait3A_231, %dma_wait3A_232] : memref<4x200x128xf32, #tpu.memory_space<vmem>> -> memref<1x96x128xf32, #tpu.memory_space<vmem>>
      %dma_wait3A_234 = tpu.memref_squeeze %dma_wait3A_233 : memref<1x96x128xf32, #tpu.memory_space<vmem>> -> memref<96x128xf32, #tpu.memory_space<vmem>>
      %dma_wait3A_235 = arith.constant 0 : i32
      %dma_wait3A_236 = tpu.memref_slice %arg6[%dma_wait3A_228, %dma_wait3A_229, %dma_wait3A_235] : memref<4x2x104xi32, #tpu.memory_space<vmem>> -> memref<1x1x96xi32, #tpu.memory_space<vmem>>
      %dma_wait3A_237 = tpu.memref_squeeze %dma_wait3A_236 : memref<1x1x96xi32, #tpu.memory_space<vmem>> -> memref<96xi32, #tpu.memory_space<vmem>>
      %dma_wait3A_238 = arith.constant 0 : i32
      %dma_wait3A_239 = arith.constant 0 : i32
      %dma_wait3A_240 = tpu.memref_slice %arg3[%dma_wait3A_238, %dma_wait3A_239] : memref<100000x128xf32, #tpu.memory_space<hbm>> -> memref<100000x128xf32, #tpu.memory_space<hbm>>
      tpu.wait_indirect_dma semaphore(%arg9 : memref<!tpu.dma_semaphore, #tpu.memory_space<semaphore_mem>>) src(%dma_wait3A_240 : memref<100000x128xf32, #tpu.memory_space<hbm>>) dst(%dma_wait3A_234 : memref<96x128xf32, #tpu.memory_space<vmem>>)
      %scan3A_241 = arith.constant 0 : i32
      %scan3A_242 = arith.constant 200 : i32
      %scan3A_243 = arith.addi %scan3A_241, %scan3A_242 : i32
      %scan3A_244 = arith.constant 1 : i32
      scf.for %scan3A_451 = %scan3A_241 to %scan3A_243 step %scan3A_244  : i32 {
        %mul3A_452 = arith.constant 1 : i32
        %mul3A_453 = arith.muli %scan3A_451, %mul3A_452 : i32
        %add3A_454 = arith.constant 0 : i32
        %add3A_455 = arith.addi %add3A_454, %mul3A_453 : i32
        %get3A = arith.constant 0 : i32
        %get3A_456 = arith.index_cast %get3A : i32 to index
        %get3A_457 = arith.index_cast %add3A_455 : i32 to index
        %get3A_458 = arith.constant 0 : index
        %get3A_459 = tpu.vector_load %arg7[%get3A_456, %get3A_457, %get3A_458] {strides = array<i32>} : memref<4x200x128xf32, #tpu.memory_space<vmem>>, vector<1x1x16xf32>,
        %get3A_460 = vector.shape_cast %get3A_459 : vector<1x1x16xf32> to vector<16xf32>
        %get3A_461 = arith.index_cast %add3A_455 : i32 to index
        %get3A_462 = arith.constant 0 : index
        %get3A_463 = tpu.vector_load %arg8[%get3A_461, %get3A_462] {strides = array<i32>} : memref<200x128xf32, #tpu.memory_space<vmem>>, vector<1x16xf32>,
        %get3A_464 = vector.shape_cast %get3A_463 : vector<1x16xf32> to vector<16xf32>
        %add3A_465 = arith.addf %get3A_460, %get3A_464 : vector<16xf32>
        %swap3A = arith.constant 0 : i32
        %swap3A_466 = arith.index_cast %swap3A : i32 to index
        %swap3A_467 = arith.index_cast %add3A_455 : i32 to index
        %swap3A_468 = arith.constant 0 : index
        %swap3A_469 = tpu.vector_load %arg7[%swap3A_466, %swap3A_467, %swap3A_468] {strides = array<i32>} : memref<4x200x128xf32, #tpu.memory_space<vmem>>, vector<1x1x16xf32>,
        %swap3A_470 = vector.shape_cast %swap3A_469 : vector<1x1x16xf32> to vector<16xf32>
        %swap3A_471 = vector.shape_cast %add3A_465 : vector<16xf32> to vector<1x1x16xf32>
        tpu.vector_store %arg7[%swap3A_466, %swap3A_467, %swap3A_468], %swap3A_471 {strides = array<i32>} : memref<4x200x128xf32, #tpu.memory_space<vmem>>, vector<1x1x16xf32>,
        %get3A_472 = arith.constant 0 : i32
        %get3A_473 = arith.index_cast %get3A_472 : i32 to index
        %get3A_474 = arith.index_cast %add3A_455 : i32 to index
        %get3A_475 = arith.constant 16 : index
        %get3A_476 = tpu.vector_load %arg7[%get3A_473, %get3A_474, %get3A_475] {strides = array<i32>} : memref<4x200x128xf32, #tpu.memory_space<vmem>>, vector<1x1x16xf32>,
        %get3A_477 = vector.shape_cast %get3A_476 : vector<1x1x16xf32> to vector<16xf32>
        %get3A_478 = arith.index_cast %add3A_455 : i32 to index
        %get3A_479 = arith.constant 16 : index
        %get3A_480 = tpu.vector_load %arg8[%get3A_478, %get3A_479] {strides = array<i32>} : memref<200x128xf32, #tpu.memory_space<vmem>>, vector<1x16xf32>,
        %get3A_481 = vector.shape_cast %get3A_480 : vector<1x16xf32> to vector<16xf32>
        %add3A_482 = arith.addf %get3A_477, %get3A_481 : vector<16xf32>
        %swap3A_483 = arith.constant 0 : i32
        %swap3A_484 = arith.index_cast %swap3A_483 : i32 to index
        %swap3A_485 = arith.index_cast %add3A_455 : i32 to index
        %swap3A_486 = arith.constant 16 : index
        %swap3A_487 = tpu.vector_load %arg7[%swap3A_484, %swap3A_485, %swap3A_486] {strides = array<i32>} : memref<4x200x128xf32, #tpu.memory_space<vmem>>, vector<1x1x16xf32>,
        %swap3A_488 = vector.shape_cast %swap3A_487 : vector<1x1x16xf32> to vector<16xf32>
        %swap3A_489 = vector.shape_cast %add3A_482 : vector<16xf32> to vector<1x1x16xf32>
        tpu.vector_store %arg7[%swap3A_484, %swap3A_485, %swap3A_486], %swap3A_489 {strides = array<i32>} : memref<4x200x128xf32, #tpu.memory_space<vmem>>, vector<1x1x16xf32>,
        %get3A_490 = arith.constant 0 : i32
        %get3A_491 = arith.index_cast %get3A_490 : i32 to index
        %get3A_492 = arith.index_cast %add3A_455 : i32 to index
        %get3A_493 = arith.constant 32 : index
        %get3A_494 = tpu.vector_load %arg7[%get3A_491, %get3A_492, %get3A_493] {strides = array<i32>} : memref<4x200x128xf32, #tpu.memory_space<vmem>>, vector<1x1x16xf32>,
        %get3A_495 = vector.shape_cast %get3A_494 : vector<1x1x16xf32> to vector<16xf32>
        %get3A_496 = arith.index_cast %add3A_455 : i32 to index
        %get3A_497 = arith.constant 32 : index
        %get3A_498 = tpu.vector_load %arg8[%get3A_496, %get3A_497] {strides = array<i32>} : memref<200x128xf32, #tpu.memory_space<vmem>>, vector<1x16xf32>,
        %get3A_499 = vector.shape_cast %get3A_498 : vector<1x16xf32> to vector<16xf32>
        %add3A_500 = arith.addf %get3A_495, %get3A_499 : vector<16xf32>
        %swap3A_501 = arith.constant 0 : i32
        %swap3A_502 = arith.index_cast %swap3A_501 : i32 to index
        %swap3A_503 = arith.index_cast %add3A_455 : i32 to index
        %swap3A_504 = arith.constant 32 : index
        %swap3A_505 = tpu.vector_load %arg7[%swap3A_502, %swap3A_503, %swap3A_504] {strides = array<i32>} : memref<4x200x128xf32, #tpu.memory_space<vmem>>, vector<1x1x16xf32>,
        %swap3A_506 = vector.shape_cast %swap3A_505 : vector<1x1x16xf32> to vector<16xf32>
        %swap3A_507 = vector.shape_cast %add3A_500 : vector<16xf32> to vector<1x1x16xf32>
        tpu.vector_store %arg7[%swap3A_502, %swap3A_503, %swap3A_504], %swap3A_507 {strides = array<i32>} : memref<4x200x128xf32, #tpu.memory_space<vmem>>, vector<1x1x16xf32>,
        %get3A_508 = arith.constant 0 : i32
        %get3A_509 = arith.index_cast %get3A_508 : i32 to index
        %get3A_510 = arith.index_cast %add3A_455 : i32 to index
        %get3A_511 = arith.constant 48 : index
        %get3A_512 = tpu.vector_load %arg7[%get3A_509, %get3A_510, %get3A_511] {strides = array<i32>} : memref<4x200x128xf32, #tpu.memory_space<vmem>>, vector<1x1x16xf32>,
        %get3A_513 = vector.shape_cast %get3A_512 : vector<1x1x16xf32> to vector<16xf32>
        %get3A_514 = arith.index_cast %add3A_455 : i32 to index
        %get3A_515 = arith.constant 48 : index
        %get3A_516 = tpu.vector_load %arg8[%get3A_514, %get3A_515] {strides = array<i32>} : memref<200x128xf32, #tpu.memory_space<vmem>>, vector<1x16xf32>,
        %get3A_517 = vector.shape_cast %get3A_516 : vector<1x16xf32> to vector<16xf32>
        %add3A_518 = arith.addf %get3A_513, %get3A_517 : vector<16xf32>
        %swap3A_519 = arith.constant 0 : i32
        %swap3A_520 = arith.index_cast %swap3A_519 : i32 to index
        %swap3A_521 = arith.index_cast %add3A_455 : i32 to index
        %swap3A_522 = arith.constant 48 : index
        %swap3A_523 = tpu.vector_load %arg7[%swap3A_520, %swap3A_521, %swap3A_522] {strides = array<i32>} : memref<4x200x128xf32, #tpu.memory_space<vmem>>, vector<1x1x16xf32>,
        %swap3A_524 = vector.shape_cast %swap3A_523 : vector<1x1x16xf32> to vector<16xf32>
        %swap3A_525 = vector.shape_cast %add3A_518 : vector<16xf32> to vector<1x1x16xf32>
        tpu.vector_store %arg7[%swap3A_520, %swap3A_521, %swap3A_522], %swap3A_525 {strides = array<i32>} : memref<4x200x128xf32, #tpu.memory_space<vmem>>, vector<1x1x16xf32>,
        %get3A_526 = arith.constant 0 : i32
        %get3A_527 = arith.index_cast %get3A_526 : i32 to index
        %get3A_528 = arith.index_cast %add3A_455 : i32 to index
        %get3A_529 = arith.constant 64 : index
        %get3A_530 = tpu.vector_load %arg7[%get3A_527, %get3A_528, %get3A_529] {strides = array<i32>} : memref<4x200x128xf32, #tpu.memory_space<vmem>>, vector<1x1x16xf32>,
        %get3A_531 = vector.shape_cast %get3A_530 : vector<1x1x16xf32> to vector<16xf32>
        %get3A_532 = arith.index_cast %add3A_455 : i32 to index
        %get3A_533 = arith.constant 64 : index
        %get3A_534 = tpu.vector_load %arg8[%get3A_532, %get3A_533] {strides = array<i32>} : memref<200x128xf32, #tpu.memory_space<vmem>>, vector<1x16xf32>,
        %get3A_535 = vector.shape_cast %get3A_534 : vector<1x16xf32> to vector<16xf32>
        %add3A_536 = arith.addf %get3A_531, %get3A_535 : vector<16xf32>
        %swap3A_537 = arith.constant 0 : i32
        %swap3A_538 = arith.index_cast %swap3A_537 : i32 to index
        %swap3A_539 = arith.index_cast %add3A_455 : i32 to index
        %swap3A_540 = arith.constant 64 : index
        %swap3A_541 = tpu.vector_load %arg7[%swap3A_538, %swap3A_539, %swap3A_540] {strides = array<i32>} : memref<4x200x128xf32, #tpu.memory_space<vmem>>, vector<1x1x16xf32>,
        %swap3A_542 = vector.shape_cast %swap3A_541 : vector<1x1x16xf32> to vector<16xf32>
        %swap3A_543 = vector.shape_cast %add3A_536 : vector<16xf32> to vector<1x1x16xf32>
        tpu.vector_store %arg7[%swap3A_538, %swap3A_539, %swap3A_540], %swap3A_543 {strides = array<i32>} : memref<4x200x128xf32, #tpu.memory_space<vmem>>, vector<1x1x16xf32>,
        %get3A_544 = arith.constant 0 : i32
        %get3A_545 = arith.index_cast %get3A_544 : i32 to index
        %get3A_546 = arith.index_cast %add3A_455 : i32 to index
        %get3A_547 = arith.constant 80 : index
        %get3A_548 = tpu.vector_load %arg7[%get3A_545, %get3A_546, %get3A_547] {strides = array<i32>} : memref<4x200x128xf32, #tpu.memory_space<vmem>>, vector<1x1x16xf32>,
        %get3A_549 = vector.shape_cast %get3A_548 : vector<1x1x16xf32> to vector<16xf32>
        %get3A_550 = arith.index_cast %add3A_455 : i32 to index
        %get3A_551 = arith.constant 80 : index
        %get3A_552 = tpu.vector_load %arg8[%get3A_550, %get3A_551] {strides = array<i32>} : memref<200x128xf32, #tpu.memory_space<vmem>>, vector<1x16xf32>,
        %get3A_553 = vector.shape_cast %get3A_552 : vector<1x16xf32> to vector<16xf32>
        %add3A_554 = arith.addf %get3A_549, %get3A_553 : vector<16xf32>
        %swap3A_555 = arith.constant 0 : i32
        %swap3A_556 = arith.index_cast %swap3A_555 : i32 to index
        %swap3A_557 = arith.index_cast %add3A_455 : i32 to index
        %swap3A_558 = arith.constant 80 : index
        %swap3A_559 = tpu.vector_load %arg7[%swap3A_556, %swap3A_557, %swap3A_558] {strides = array<i32>} : memref<4x200x128xf32, #tpu.memory_space<vmem>>, vector<1x1x16xf32>,
        %swap3A_560 = vector.shape_cast %swap3A_559 : vector<1x1x16xf32> to vector<16xf32>
        %swap3A_561 = vector.shape_cast %add3A_554 : vector<16xf32> to vector<1x1x16xf32>
        tpu.vector_store %arg7[%swap3A_556, %swap3A_557, %swap3A_558], %swap3A_561 {strides = array<i32>} : memref<4x200x128xf32, #tpu.memory_space<vmem>>, vector<1x1x16xf32>,
        %get3A_562 = arith.constant 0 : i32
        %get3A_563 = arith.index_cast %get3A_562 : i32 to index
        %get3A_564 = arith.index_cast %add3A_455 : i32 to index
        %get3A_565 = arith.constant 96 : index
        %get3A_566 = tpu.vector_load %arg7[%get3A_563, %get3A_564, %get3A_565] {strides = array<i32>} : memref<4x200x128xf32, #tpu.memory_space<vmem>>, vector<1x1x16xf32>,
        %get3A_567 = vector.shape_cast %get3A_566 : vector<1x1x16xf32> to vector<16xf32>
        %get3A_568 = arith.index_cast %add3A_455 : i32 to index
        %get3A_569 = arith.constant 96 : index
        %get3A_570 = tpu.vector_load %arg8[%get3A_568, %get3A_569] {strides = array<i32>} : memref<200x128xf32, #tpu.memory_space<vmem>>, vector<1x16xf32>,
        %get3A_571 = vector.shape_cast %get3A_570 : vector<1x16xf32> to vector<16xf32>
        %add3A_572 = arith.addf %get3A_567, %get3A_571 : vector<16xf32>
        %swap3A_573 = arith.constant 0 : i32
        %swap3A_574 = arith.index_cast %swap3A_573 : i32 to index
        %swap3A_575 = arith.index_cast %add3A_455 : i32 to index
        %swap3A_576 = arith.constant 96 : index
        %swap3A_577 = tpu.vector_load %arg7[%swap3A_574, %swap3A_575, %swap3A_576] {strides = array<i32>} : memref<4x200x128xf32, #tpu.memory_space<vmem>>, vector<1x1x16xf32>,
        %swap3A_578 = vector.shape_cast %swap3A_577 : vector<1x1x16xf32> to vector<16xf32>
        %swap3A_579 = vector.shape_cast %add3A_572 : vector<16xf32> to vector<1x1x16xf32>
        tpu.vector_store %arg7[%swap3A_574, %swap3A_575, %swap3A_576], %swap3A_579 {strides = array<i32>} : memref<4x200x128xf32, #tpu.memory_space<vmem>>, vector<1x1x16xf32>,
        %get3A_580 = arith.constant 0 : i32
        %get3A_581 = arith.index_cast %get3A_580 : i32 to index
        %get3A_582 = arith.index_cast %add3A_455 : i32 to index
        %get3A_583 = arith.constant 112 : index
        %get3A_584 = tpu.vector_load %arg7[%get3A_581, %get3A_582, %get3A_583] {strides = array<i32>} : memref<4x200x128xf32, #tpu.memory_space<vmem>>, vector<1x1x16xf32>,
        %get3A_585 = vector.shape_cast %get3A_584 : vector<1x1x16xf32> to vector<16xf32>
        %get3A_586 = arith.index_cast %add3A_455 : i32 to index
        %get3A_587 = arith.constant 112 : index
        %get3A_588 = tpu.vector_load %arg8[%get3A_586, %get3A_587] {strides = array<i32>} : memref<200x128xf32, #tpu.memory_space<vmem>>, vector<1x16xf32>,
        %get3A_589 = vector.shape_cast %get3A_588 : vector<1x16xf32> to vector<16xf32>
        %add3A_590 = arith.addf %get3A_585, %get3A_589 : vector<16xf32>
        %swap3A_591 = arith.constant 0 : i32
        %swap3A_592 = arith.index_cast %swap3A_591 : i32 to index
        %swap3A_593 = arith.index_cast %add3A_455 : i32 to index
        %swap3A_594 = arith.constant 112 : index
        %swap3A_595 = tpu.vector_load %arg7[%swap3A_592, %swap3A_593, %swap3A_594] {strides = array<i32>} : memref<4x200x128xf32, #tpu.memory_space<vmem>>, vector<1x1x16xf32>,
        %swap3A_596 = vector.shape_cast %swap3A_595 : vector<1x1x16xf32> to vector<16xf32>
        %swap3A_597 = vector.shape_cast %add3A_590 : vector<16xf32> to vector<1x1x16xf32>
        tpu.vector_store %arg7[%swap3A_592, %swap3A_593, %swap3A_594], %swap3A_597 {strides = array<i32>} : memref<4x200x128xf32, #tpu.memory_space<vmem>>, vector<1x1x16xf32>,
      }
      %scan3A_245 = arith.constant 200 : i32
      %mul3A_246 = arith.constant 200 : i32
      %mul3A_247 = arith.muli %add3A_214, %mul3A_246 : i32
      %add3A_248 = arith.addi %mul3A_2, %mul3A_247 : i32
      %dma_start3A_249 = arith.constant 0 : i32
      %dma_start3A_250 = arith.constant 0 : i32
      %dma_start3A_251 = arith.constant 0 : i32
      %dma_start3A_252 = tpu.memref_slice %arg7[%dma_start3A_249, %dma_start3A_250, %dma_start3A_251] : memref<4x200x128xf32, #tpu.memory_space<vmem>> -> memref<1x200x128xf32, #tpu.memory_space<vmem>>
      %dma_start3A_253 = tpu.memref_squeeze %dma_start3A_252 : memref<1x200x128xf32, #tpu.memory_space<vmem>> -> memref<200x128xf32, #tpu.memory_space<vmem>>
      %dma_start3A_254 = arith.constant 0 : i32
      %dma_start3A_255 = tpu.memref_slice %arg5[%add3A_248, %dma_start3A_254] : memref<819200x128xf32, #tpu.memory_space<hbm>> -> memref<200x128xf32, #tpu.memory_space<hbm>>
      %dma_start3A_256 = arith.constant 0 : i32
      %dma_start3A_257 = tpu.memref_slice %arg5[%add3A_248, %dma_start3A_256] : memref<819200x128xf32, #tpu.memory_space<hbm>> -> memref<200x128xf32, #tpu.memory_space<hbm>>
      %dma_start3A_258 = arith.constant 0 : i32
      %dma_start3A_259 = arith.constant 0 : i32
      %dma_start3A_260 = tpu.memref_slice %arg7[%dma_start3A_249, %dma_start3A_258, %dma_start3A_259] : memref<4x200x128xf32, #tpu.memory_space<vmem>> -> memref<1x200x128xf32, #tpu.memory_space<vmem>>
      %dma_start3A_261 = tpu.memref_squeeze %dma_start3A_260 : memref<1x200x128xf32, #tpu.memory_space<vmem>> -> memref<200x128xf32, #tpu.memory_space<vmem>>
      tpu.enqueue_dma source(%dma_start3A_261 : memref<200x128xf32, #tpu.memory_space<vmem>>) target(%dma_start3A_257 : memref<200x128xf32, #tpu.memory_space<hbm>>) target_semaphore(%arg13 : memref<!tpu.dma_semaphore, #tpu.memory_space<semaphore_mem>>)
      %sub3A = arith.constant 1 : i32
      %sub3A_262 = arith.subi %add3A_214, %sub3A : i32
      %add3A_263 = arith.constant 4 : i32
      %add3A_264 = arith.addi %sub3A_262, %add3A_263 : i32
      %ge3A = arith.constant 1 : i32
      %ge3A_265 = arith.cmpi sge, %add3A_214, %ge3A : i32
      %lt3A = arith.constant 128 : i32
      %lt3A_266 = arith.cmpi slt, %add3A_264, %lt3A : i32
      %and3A = arith.andi %ge3A_265, %lt3A_266 : i1
      %convert_element_type3A = arith.extui %and3A : i1 to i32
      %cond3A = arith.constant 0 : i32
      %cond3A_267 = arith.cmpi ne, %convert_element_type3A, %cond3A : i32
      scf.if %cond3A_267 {
        %dma_wait3A_451 = arith.constant 3 : i32
        %dma_wait3A_452 = arith.constant 0 : i32
        %dma_wait3A_453 = arith.constant 0 : i32
        %dma_wait3A_454 = tpu.memref_slice %arg7[%dma_wait3A_451, %dma_wait3A_452, %dma_wait3A_453] : memref<4x200x128xf32, #tpu.memory_space<vmem>> -> memref<1x200x128xf32, #tpu.memory_space<vmem>>
        %dma_wait3A_455 = tpu.memref_squeeze %dma_wait3A_454 : memref<1x200x128xf32, #tpu.memory_space<vmem>> -> memref<200x128xf32, #tpu.memory_space<vmem>>
        %dma_wait3A_456 = arith.constant 0 : i32
        %dma_wait3A_457 = arith.constant 0 : i32
        %dma_wait3A_458 = tpu.memref_slice %arg5[%dma_wait3A_456, %dma_wait3A_457] : memref<819200x128xf32, #tpu.memory_space<hbm>> -> memref<200x128xf32, #tpu.memory_space<hbm>>
        %dma_wait3A_459 = arith.constant 0 : i32
        %dma_wait3A_460 = arith.constant 0 : i32
        %dma_wait3A_461 = tpu.memref_slice %arg5[%dma_wait3A_459, %dma_wait3A_460] : memref<819200x128xf32, #tpu.memory_space<hbm>> -> memref<200x128xf32, #tpu.memory_space<hbm>>
        %dma_wait3A_462 = arith.constant 0 : i32
        %dma_wait3A_463 = arith.constant 0 : i32
        %dma_wait3A_464 = tpu.memref_slice %arg7[%dma_wait3A_451, %dma_wait3A_462, %dma_wait3A_463] : memref<4x200x128xf32, #tpu.memory_space<vmem>> -> memref<1x200x128xf32, #tpu.memory_space<vmem>>
        %dma_wait3A_465 = tpu.memref_squeeze %dma_wait3A_464 : memref<1x200x128xf32, #tpu.memory_space<vmem>> -> memref<200x128xf32, #tpu.memory_space<vmem>>
        tpu.wait_dma2 semaphore(%arg16 : memref<!tpu.dma_semaphore, #tpu.memory_space<semaphore_mem>>) src(%dma_wait3A_465 : memref<200x128xf32, #tpu.memory_space<vmem>>) dst(%dma_wait3A_461 : memref<200x128xf32, #tpu.memory_space<hbm>>)
        %mul3A_466 = arith.constant 200 : i32
        %mul3A_467 = arith.muli %add3A_264, %mul3A_466 : i32
        %add3A_468 = arith.addi %mul3A_2, %mul3A_467 : i32
        %run_scoped3A_469 = arith.constant 3 : i32
        %run_scoped3A_470 = arith.constant 0 : i32
        "tpu.region"() ({
          %run_scoped3A_501 = tpu.sem_alloc : memref<!tpu.dma_semaphore, #tpu.memory_space<semaphore_mem>>
          %dma_start3A_502 = arith.constant 0 : i32
          %dma_start3A_503 = tpu.memref_slice %arg6[%run_scoped3A_469, %run_scoped3A_470, %dma_start3A_502] : memref<4x2x104xi32, #tpu.memory_space<vmem>> -> memref<1x1x104xi32, #tpu.memory_space<vmem>>
          %dma_start3A_504 = tpu.memref_squeeze %dma_start3A_503 : memref<1x1x104xi32, #tpu.memory_space<vmem>> -> memref<104xi32, #tpu.memory_space<vmem>>
          %dma_start3A_505 = tpu.memref_slice %arg2[%add3A_468] : memref<819200xi32, #tpu.memory_space<hbm>> -> memref<104xi32, #tpu.memory_space<hbm>>
          %dma_start3A_506 = arith.constant 0 : i32
          %dma_start3A_507 = tpu.memref_slice %arg6[%run_scoped3A_469, %run_scoped3A_470, %dma_start3A_506] : memref<4x2x104xi32, #tpu.memory_space<vmem>> -> memref<1x1x104xi32, #tpu.memory_space<vmem>>
          %dma_start3A_508 = tpu.memref_squeeze %dma_start3A_507 : memref<1x1x104xi32, #tpu.memory_space<vmem>> -> memref<104xi32, #tpu.memory_space<vmem>>
          %dma_start3A_509 = tpu.memref_slice %arg2[%add3A_468] : memref<819200xi32, #tpu.memory_space<hbm>> -> memref<104xi32, #tpu.memory_space<hbm>>
          tpu.enqueue_dma source(%dma_start3A_509 : memref<104xi32, #tpu.memory_space<hbm>>) target(%dma_start3A_508 : memref<104xi32, #tpu.memory_space<vmem>>) target_semaphore(%run_scoped3A_501 : memref<!tpu.dma_semaphore, #tpu.memory_space<semaphore_mem>>)
          %dma_wait3A_510 = arith.constant 0 : i32
          %dma_wait3A_511 = tpu.memref_slice %arg6[%run_scoped3A_469, %run_scoped3A_470, %dma_wait3A_510] : memref<4x2x104xi32, #tpu.memory_space<vmem>> -> memref<1x1x104xi32, #tpu.memory_space<vmem>>
          %dma_wait3A_512 = tpu.memref_squeeze %dma_wait3A_511 : memref<1x1x104xi32, #tpu.memory_space<vmem>> -> memref<104xi32, #tpu.memory_space<vmem>>
          %dma_wait3A_513 = tpu.memref_slice %arg2[%add3A_468] : memref<819200xi32, #tpu.memory_space<hbm>> -> memref<104xi32, #tpu.memory_space<hbm>>
          %dma_wait3A_514 = arith.constant 0 : i32
          %dma_wait3A_515 = tpu.memref_slice %arg6[%run_scoped3A_469, %run_scoped3A_470, %dma_wait3A_514] : memref<4x2x104xi32, #tpu.memory_space<vmem>> -> memref<1x1x104xi32, #tpu.memory_space<vmem>>
          %dma_wait3A_516 = tpu.memref_squeeze %dma_wait3A_515 : memref<1x1x104xi32, #tpu.memory_space<vmem>> -> memref<104xi32, #tpu.memory_space<vmem>>
          %dma_wait3A_517 = tpu.memref_slice %arg2[%add3A_468] : memref<819200xi32, #tpu.memory_space<hbm>> -> memref<104xi32, #tpu.memory_space<hbm>>
          tpu.wait_dma2 semaphore(%run_scoped3A_501 : memref<!tpu.dma_semaphore, #tpu.memory_space<semaphore_mem>>) src(%dma_wait3A_517 : memref<104xi32, #tpu.memory_space<hbm>>) dst(%dma_wait3A_516 : memref<104xi32, #tpu.memory_space<vmem>>)
          tpu.yield
        }) : () -> ()
        %dma_start3A_471 = arith.constant 3 : i32
        %dma_start3A_472 = arith.constant 0 : i32
        %dma_start3A_473 = arith.constant 3 : i32
        %dma_start3A_474 = arith.constant 0 : i32
        %dma_start3A_475 = arith.constant 0 : i32
        %dma_start3A_476 = tpu.memref_slice %arg7[%dma_start3A_473, %dma_start3A_474, %dma_start3A_475] : memref<4x200x128xf32, #tpu.memory_space<vmem>> -> memref<1x104x128xf32, #tpu.memory_space<vmem>>
        %dma_start3A_477 = tpu.memref_squeeze %dma_start3A_476 : memref<1x104x128xf32, #tpu.memory_space<vmem>> -> memref<104x128xf32, #tpu.memory_space<vmem>>
        %dma_start3A_478 = arith.constant 0 : i32
        %dma_start3A_479 = tpu.memref_slice %arg6[%dma_start3A_471, %dma_start3A_472, %dma_start3A_478] : memref<4x2x104xi32, #tpu.memory_space<vmem>> -> memref<1x1x104xi32, #tpu.memory_space<vmem>>
        %dma_start3A_480 = tpu.memref_squeeze %dma_start3A_479 : memref<1x1x104xi32, #tpu.memory_space<vmem>> -> memref<104xi32, #tpu.memory_space<vmem>>
        %dma_start3A_481 = arith.constant 0 : i32
        %dma_start3A_482 = arith.constant 0 : i32
        %dma_start3A_483 = tpu.memref_slice %arg3[%dma_start3A_481, %dma_start3A_482] : memref<100000x128xf32, #tpu.memory_space<hbm>> -> memref<100000x128xf32, #tpu.memory_space<hbm>>
        tpu.enqueue_indirect_dma source(%dma_start3A_483 : memref<100000x128xf32, #tpu.memory_space<hbm>>) target(%dma_start3A_477 : memref<104x128xf32, #tpu.memory_space<vmem>>) offsets(%dma_start3A_480 : memref<104xi32, #tpu.memory_space<vmem>>) semaphore(%arg12 : memref<!tpu.dma_semaphore, #tpu.memory_space<semaphore_mem>>)
        %add3A_484 = arith.constant 104 : i32
        %add3A_485 = arith.addi %add3A_468, %add3A_484 : i32
        %run_scoped3A_486 = arith.constant 3 : i32
        %run_scoped3A_487 = arith.constant 1 : i32
        "tpu.region"() ({
          %run_scoped3A_501 = tpu.sem_alloc : memref<!tpu.dma_semaphore, #tpu.memory_space<semaphore_mem>>
          %dma_start3A_502 = arith.constant 0 : i32
          %dma_start3A_503 = tpu.memref_slice %arg6[%run_scoped3A_486, %run_scoped3A_487, %dma_start3A_502] : memref<4x2x104xi32, #tpu.memory_space<vmem>> -> memref<1x1x96xi32, #tpu.memory_space<vmem>>
          %dma_start3A_504 = tpu.memref_squeeze %dma_start3A_503 : memref<1x1x96xi32, #tpu.memory_space<vmem>> -> memref<96xi32, #tpu.memory_space<vmem>>
          %dma_start3A_505 = tpu.memref_slice %arg2[%add3A_485] : memref<819200xi32, #tpu.memory_space<hbm>> -> memref<96xi32, #tpu.memory_space<hbm>>
          %dma_start3A_506 = arith.constant 0 : i32
          %dma_start3A_507 = tpu.memref_slice %arg6[%run_scoped3A_486, %run_scoped3A_487, %dma_start3A_506] : memref<4x2x104xi32, #tpu.memory_space<vmem>> -> memref<1x1x96xi32, #tpu.memory_space<vmem>>
          %dma_start3A_508 = tpu.memref_squeeze %dma_start3A_507 : memref<1x1x96xi32, #tpu.memory_space<vmem>> -> memref<96xi32, #tpu.memory_space<vmem>>
          %dma_start3A_509 = tpu.memref_slice %arg2[%add3A_485] : memref<819200xi32, #tpu.memory_space<hbm>> -> memref<96xi32, #tpu.memory_space<hbm>>
          tpu.enqueue_dma source(%dma_start3A_509 : memref<96xi32, #tpu.memory_space<hbm>>) target(%dma_start3A_508 : memref<96xi32, #tpu.memory_space<vmem>>) target_semaphore(%run_scoped3A_501 : memref<!tpu.dma_semaphore, #tpu.memory_space<semaphore_mem>>)
          %dma_wait3A_510 = arith.constant 0 : i32
          %dma_wait3A_511 = tpu.memref_slice %arg6[%run_scoped3A_486, %run_scoped3A_487, %dma_wait3A_510] : memref<4x2x104xi32, #tpu.memory_space<vmem>> -> memref<1x1x96xi32, #tpu.memory_space<vmem>>
          %dma_wait3A_512 = tpu.memref_squeeze %dma_wait3A_511 : memref<1x1x96xi32, #tpu.memory_space<vmem>> -> memref<96xi32, #tpu.memory_space<vmem>>
          %dma_wait3A_513 = tpu.memref_slice %arg2[%add3A_485] : memref<819200xi32, #tpu.memory_space<hbm>> -> memref<96xi32, #tpu.memory_space<hbm>>
          %dma_wait3A_514 = arith.constant 0 : i32
          %dma_wait3A_515 = tpu.memref_slice %arg6[%run_scoped3A_486, %run_scoped3A_487, %dma_wait3A_514] : memref<4x2x104xi32, #tpu.memory_space<vmem>> -> memref<1x1x96xi32, #tpu.memory_space<vmem>>
          %dma_wait3A_516 = tpu.memref_squeeze %dma_wait3A_515 : memref<1x1x96xi32, #tpu.memory_space<vmem>> -> memref<96xi32, #tpu.memory_space<vmem>>
          %dma_wait3A_517 = tpu.memref_slice %arg2[%add3A_485] : memref<819200xi32, #tpu.memory_space<hbm>> -> memref<96xi32, #tpu.memory_space<hbm>>
          tpu.wait_dma2 semaphore(%run_scoped3A_501 : memref<!tpu.dma_semaphore, #tpu.memory_space<semaphore_mem>>) src(%dma_wait3A_517 : memref<96xi32, #tpu.memory_space<hbm>>) dst(%dma_wait3A_516 : memref<96xi32, #tpu.memory_space<vmem>>)
          tpu.yield
        }) : () -> ()
        %dma_start3A_488 = arith.constant 3 : i32
        %dma_start3A_489 = arith.constant 1 : i32
        %dma_start3A_490 = arith.constant 3 : i32
        %dma_start3A_491 = arith.constant 104 : i32
        %dma_start3A_492 = arith.constant 0 : i32
        %dma_start3A_493 = tpu.memref_slice %arg7[%dma_start3A_490, %dma_start3A_491, %dma_start3A_492] : memref<4x200x128xf32, #tpu.memory_space<vmem>> -> memref<1x96x128xf32, #tpu.memory_space<vmem>>
        %dma_start3A_494 = tpu.memref_squeeze %dma_start3A_493 : memref<1x96x128xf32, #tpu.memory_space<vmem>> -> memref<96x128xf32, #tpu.memory_space<vmem>>
        %dma_start3A_495 = arith.constant 0 : i32
        %dma_start3A_496 = tpu.memref_slice %arg6[%dma_start3A_488, %dma_start3A_489, %dma_start3A_495] : memref<4x2x104xi32, #tpu.memory_space<vmem>> -> memref<1x1x96xi32, #tpu.memory_space<vmem>>
        %dma_start3A_497 = tpu.memref_squeeze %dma_start3A_496 : memref<1x1x96xi32, #tpu.memory_space<vmem>> -> memref<96xi32, #tpu.memory_space<vmem>>
        %dma_start3A_498 = arith.constant 0 : i32
        %dma_start3A_499 = arith.constant 0 : i32
        %dma_start3A_500 = tpu.memref_slice %arg3[%dma_start3A_498, %dma_start3A_499] : memref<100000x128xf32, #tpu.memory_space<hbm>> -> memref<100000x128xf32, #tpu.memory_space<hbm>>
        tpu.enqueue_indirect_dma source(%dma_start3A_500 : memref<100000x128xf32, #tpu.memory_space<hbm>>) target(%dma_start3A_494 : memref<96x128xf32, #tpu.memory_space<vmem>>) offsets(%dma_start3A_497 : memref<96xi32, #tpu.memory_space<vmem>>) semaphore(%arg12 : memref<!tpu.dma_semaphore, #tpu.memory_space<semaphore_mem>>)
      } else {
      }
      %add3A_268 = arith.constant 1 : i32
      %add3A_269 = arith.addi %add3A_212, %add3A_268 : i32
      %dma_wait3A_270 = arith.constant 1 : i32
      %dma_wait3A_271 = arith.constant 0 : i32
      %dma_wait3A_272 = arith.constant 1 : i32
      %dma_wait3A_273 = arith.constant 0 : i32
      %dma_wait3A_274 = arith.constant 0 : i32
      %dma_wait3A_275 = tpu.memref_slice %arg7[%dma_wait3A_272, %dma_wait3A_273, %dma_wait3A_274] : memref<4x200x128xf32, #tpu.memory_space<vmem>> -> memref<1x104x128xf32, #tpu.memory_space<vmem>>
      %dma_wait3A_276 = tpu.memref_squeeze %dma_wait3A_275 : memref<1x104x128xf32, #tpu.memory_space<vmem>> -> memref<104x128xf32, #tpu.memory_space<vmem>>
      %dma_wait3A_277 = arith.constant 0 : i32
      %dma_wait3A_278 = tpu.memref_slice %arg6[%dma_wait3A_270, %dma_wait3A_271, %dma_wait3A_277] : memref<4x2x104xi32, #tpu.memory_space<vmem>> -> memref<1x1x104xi32, #tpu.memory_space<vmem>>
      %dma_wait3A_279 = tpu.memref_squeeze %dma_wait3A_278 : memref<1x1x104xi32, #tpu.memory_space<vmem>> -> memref<104xi32, #tpu.memory_space<vmem>>
      %dma_wait3A_280 = arith.constant 0 : i32
      %dma_wait3A_281 = arith.constant 0 : i32
      %dma_wait3A_282 = tpu.memref_slice %arg3[%dma_wait3A_280, %dma_wait3A_281] : memref<100000x128xf32, #tpu.memory_space<hbm>> -> memref<100000x128xf32, #tpu.memory_space<hbm>>
      tpu.wait_indirect_dma semaphore(%arg10 : memref<!tpu.dma_semaphore, #tpu.memory_space<semaphore_mem>>) src(%dma_wait3A_282 : memref<100000x128xf32, #tpu.memory_space<hbm>>) dst(%dma_wait3A_276 : memref<104x128xf32, #tpu.memory_space<vmem>>)
      %dma_wait3A_283 = arith.constant 1 : i32
      %dma_wait3A_284 = arith.constant 1 : i32
      %dma_wait3A_285 = arith.constant 1 : i32
      %dma_wait3A_286 = arith.constant 104 : i32
      %dma_wait3A_287 = arith.constant 0 : i32
      %dma_wait3A_288 = tpu.memref_slice %arg7[%dma_wait3A_285, %dma_wait3A_286, %dma_wait3A_287] : memref<4x200x128xf32, #tpu.memory_space<vmem>> -> memref<1x96x128xf32, #tpu.memory_space<vmem>>
      %dma_wait3A_289 = tpu.memref_squeeze %dma_wait3A_288 : memref<1x96x128xf32, #tpu.memory_space<vmem>> -> memref<96x128xf32, #tpu.memory_space<vmem>>
      %dma_wait3A_290 = arith.constant 0 : i32
      %dma_wait3A_291 = tpu.memref_slice %arg6[%dma_wait3A_283, %dma_wait3A_284, %dma_wait3A_290] : memref<4x2x104xi32, #tpu.memory_space<vmem>> -> memref<1x1x96xi32, #tpu.memory_space<vmem>>
      %dma_wait3A_292 = tpu.memref_squeeze %dma_wait3A_291 : memref<1x1x96xi32, #tpu.memory_space<vmem>> -> memref<96xi32, #tpu.memory_space<vmem>>
      %dma_wait3A_293 = arith.constant 0 : i32
      %dma_wait3A_294 = arith.constant 0 : i32
      %dma_wait3A_295 = tpu.memref_slice %arg3[%dma_wait3A_293, %dma_wait3A_294] : memref<100000x128xf32, #tpu.memory_space<hbm>> -> memref<100000x128xf32, #tpu.memory_space<hbm>>
      tpu.wait_indirect_dma semaphore(%arg10 : memref<!tpu.dma_semaphore, #tpu.memory_space<semaphore_mem>>) src(%dma_wait3A_295 : memref<100000x128xf32, #tpu.memory_space<hbm>>) dst(%dma_wait3A_289 : memref<96x128xf32, #tpu.memory_space<vmem>>)
      %scan3A_296 = arith.constant 0 : i32
      %scan3A_297 = arith.constant 200 : i32
      %scan3A_298 = arith.addi %scan3A_296, %scan3A_297 : i32
      %scan3A_299 = arith.constant 1 : i32
      scf.for %scan3A_451 = %scan3A_296 to %scan3A_298 step %scan3A_299  : i32 {
        %mul3A_452 = arith.constant 1 : i32
        %mul3A_453 = arith.muli %scan3A_451, %mul3A_452 : i32
        %add3A_454 = arith.constant 0 : i32
        %add3A_455 = arith.addi %add3A_454, %mul3A_453 : i32
        %get3A = arith.constant 1 : i32
        %get3A_456 = arith.index_cast %get3A : i32 to index
        %get3A_457 = arith.index_cast %add3A_455 : i32 to index
        %get3A_458 = arith.constant 0 : index
        %get3A_459 = tpu.vector_load %arg7[%get3A_456, %get3A_457, %get3A_458] {strides = array<i32>} : memref<4x200x128xf32, #tpu.memory_space<vmem>>, vector<1x1x16xf32>,
        %get3A_460 = vector.shape_cast %get3A_459 : vector<1x1x16xf32> to vector<16xf32>
        %get3A_461 = arith.index_cast %add3A_455 : i32 to index
        %get3A_462 = arith.constant 0 : index
        %get3A_463 = tpu.vector_load %arg8[%get3A_461, %get3A_462] {strides = array<i32>} : memref<200x128xf32, #tpu.memory_space<vmem>>, vector<1x16xf32>,
        %get3A_464 = vector.shape_cast %get3A_463 : vector<1x16xf32> to vector<16xf32>
        %add3A_465 = arith.addf %get3A_460, %get3A_464 : vector<16xf32>
        %swap3A = arith.constant 1 : i32
        %swap3A_466 = arith.index_cast %swap3A : i32 to index
        %swap3A_467 = arith.index_cast %add3A_455 : i32 to index
        %swap3A_468 = arith.constant 0 : index
        %swap3A_469 = tpu.vector_load %arg7[%swap3A_466, %swap3A_467, %swap3A_468] {strides = array<i32>} : memref<4x200x128xf32, #tpu.memory_space<vmem>>, vector<1x1x16xf32>,
        %swap3A_470 = vector.shape_cast %swap3A_469 : vector<1x1x16xf32> to vector<16xf32>
        %swap3A_471 = vector.shape_cast %add3A_465 : vector<16xf32> to vector<1x1x16xf32>
        tpu.vector_store %arg7[%swap3A_466, %swap3A_467, %swap3A_468], %swap3A_471 {strides = array<i32>} : memref<4x200x128xf32, #tpu.memory_space<vmem>>, vector<1x1x16xf32>,
        %get3A_472 = arith.constant 1 : i32
        %get3A_473 = arith.index_cast %get3A_472 : i32 to index
        %get3A_474 = arith.index_cast %add3A_455 : i32 to index
        %get3A_475 = arith.constant 16 : index
        %get3A_476 = tpu.vector_load %arg7[%get3A_473, %get3A_474, %get3A_475] {strides = array<i32>} : memref<4x200x128xf32, #tpu.memory_space<vmem>>, vector<1x1x16xf32>,
        %get3A_477 = vector.shape_cast %get3A_476 : vector<1x1x16xf32> to vector<16xf32>
        %get3A_478 = arith.index_cast %add3A_455 : i32 to index
        %get3A_479 = arith.constant 16 : index
        %get3A_480 = tpu.vector_load %arg8[%get3A_478, %get3A_479] {strides = array<i32>} : memref<200x128xf32, #tpu.memory_space<vmem>>, vector<1x16xf32>,
        %get3A_481 = vector.shape_cast %get3A_480 : vector<1x16xf32> to vector<16xf32>
        %add3A_482 = arith.addf %get3A_477, %get3A_481 : vector<16xf32>
        %swap3A_483 = arith.constant 1 : i32
        %swap3A_484 = arith.index_cast %swap3A_483 : i32 to index
        %swap3A_485 = arith.index_cast %add3A_455 : i32 to index
        %swap3A_486 = arith.constant 16 : index
        %swap3A_487 = tpu.vector_load %arg7[%swap3A_484, %swap3A_485, %swap3A_486] {strides = array<i32>} : memref<4x200x128xf32, #tpu.memory_space<vmem>>, vector<1x1x16xf32>,
        %swap3A_488 = vector.shape_cast %swap3A_487 : vector<1x1x16xf32> to vector<16xf32>
        %swap3A_489 = vector.shape_cast %add3A_482 : vector<16xf32> to vector<1x1x16xf32>
        tpu.vector_store %arg7[%swap3A_484, %swap3A_485, %swap3A_486], %swap3A_489 {strides = array<i32>} : memref<4x200x128xf32, #tpu.memory_space<vmem>>, vector<1x1x16xf32>,
        %get3A_490 = arith.constant 1 : i32
        %get3A_491 = arith.index_cast %get3A_490 : i32 to index
        %get3A_492 = arith.index_cast %add3A_455 : i32 to index
        %get3A_493 = arith.constant 32 : index
        %get3A_494 = tpu.vector_load %arg7[%get3A_491, %get3A_492, %get3A_493] {strides = array<i32>} : memref<4x200x128xf32, #tpu.memory_space<vmem>>, vector<1x1x16xf32>,
        %get3A_495 = vector.shape_cast %get3A_494 : vector<1x1x16xf32> to vector<16xf32>
        %get3A_496 = arith.index_cast %add3A_455 : i32 to index
        %get3A_497 = arith.constant 32 : index
        %get3A_498 = tpu.vector_load %arg8[%get3A_496, %get3A_497] {strides = array<i32>} : memref<200x128xf32, #tpu.memory_space<vmem>>, vector<1x16xf32>,
        %get3A_499 = vector.shape_cast %get3A_498 : vector<1x16xf32> to vector<16xf32>
        %add3A_500 = arith.addf %get3A_495, %get3A_499 : vector<16xf32>
        %swap3A_501 = arith.constant 1 : i32
        %swap3A_502 = arith.index_cast %swap3A_501 : i32 to index
        %swap3A_503 = arith.index_cast %add3A_455 : i32 to index
        %swap3A_504 = arith.constant 32 : index
        %swap3A_505 = tpu.vector_load %arg7[%swap3A_502, %swap3A_503, %swap3A_504] {strides = array<i32>} : memref<4x200x128xf32, #tpu.memory_space<vmem>>, vector<1x1x16xf32>,
        %swap3A_506 = vector.shape_cast %swap3A_505 : vector<1x1x16xf32> to vector<16xf32>
        %swap3A_507 = vector.shape_cast %add3A_500 : vector<16xf32> to vector<1x1x16xf32>
        tpu.vector_store %arg7[%swap3A_502, %swap3A_503, %swap3A_504], %swap3A_507 {strides = array<i32>} : memref<4x200x128xf32, #tpu.memory_space<vmem>>, vector<1x1x16xf32>,
        %get3A_508 = arith.constant 1 : i32
        %get3A_509 = arith.index_cast %get3A_508 : i32 to index
        %get3A_510 = arith.index_cast %add3A_455 : i32 to index
        %get3A_511 = arith.constant 48 : index
        %get3A_512 = tpu.vector_load %arg7[%get3A_509, %get3A_510, %get3A_511] {strides = array<i32>} : memref<4x200x128xf32, #tpu.memory_space<vmem>>, vector<1x1x16xf32>,
        %get3A_513 = vector.shape_cast %get3A_512 : vector<1x1x16xf32> to vector<16xf32>
        %get3A_514 = arith.index_cast %add3A_455 : i32 to index
        %get3A_515 = arith.constant 48 : index
        %get3A_516 = tpu.vector_load %arg8[%get3A_514, %get3A_515] {strides = array<i32>} : memref<200x128xf32, #tpu.memory_space<vmem>>, vector<1x16xf32>,
        %get3A_517 = vector.shape_cast %get3A_516 : vector<1x16xf32> to vector<16xf32>
        %add3A_518 = arith.addf %get3A_513, %get3A_517 : vector<16xf32>
        %swap3A_519 = arith.constant 1 : i32
        %swap3A_520 = arith.index_cast %swap3A_519 : i32 to index
        %swap3A_521 = arith.index_cast %add3A_455 : i32 to index
        %swap3A_522 = arith.constant 48 : index
        %swap3A_523 = tpu.vector_load %arg7[%swap3A_520, %swap3A_521, %swap3A_522] {strides = array<i32>} : memref<4x200x128xf32, #tpu.memory_space<vmem>>, vector<1x1x16xf32>,
        %swap3A_524 = vector.shape_cast %swap3A_523 : vector<1x1x16xf32> to vector<16xf32>
        %swap3A_525 = vector.shape_cast %add3A_518 : vector<16xf32> to vector<1x1x16xf32>
        tpu.vector_store %arg7[%swap3A_520, %swap3A_521, %swap3A_522], %swap3A_525 {strides = array<i32>} : memref<4x200x128xf32, #tpu.memory_space<vmem>>, vector<1x1x16xf32>,
        %get3A_526 = arith.constant 1 : i32
        %get3A_527 = arith.index_cast %get3A_526 : i32 to index
        %get3A_528 = arith.index_cast %add3A_455 : i32 to index
        %get3A_529 = arith.constant 64 : index
        %get3A_530 = tpu.vector_load %arg7[%get3A_527, %get3A_528, %get3A_529] {strides = array<i32>} : memref<4x200x128xf32, #tpu.memory_space<vmem>>, vector<1x1x16xf32>,
        %get3A_531 = vector.shape_cast %get3A_530 : vector<1x1x16xf32> to vector<16xf32>
        %get3A_532 = arith.index_cast %add3A_455 : i32 to index
        %get3A_533 = arith.constant 64 : index
        %get3A_534 = tpu.vector_load %arg8[%get3A_532, %get3A_533] {strides = array<i32>} : memref<200x128xf32, #tpu.memory_space<vmem>>, vector<1x16xf32>,
        %get3A_535 = vector.shape_cast %get3A_534 : vector<1x16xf32> to vector<16xf32>
        %add3A_536 = arith.addf %get3A_531, %get3A_535 : vector<16xf32>
        %swap3A_537 = arith.constant 1 : i32
        %swap3A_538 = arith.index_cast %swap3A_537 : i32 to index
        %swap3A_539 = arith.index_cast %add3A_455 : i32 to index
        %swap3A_540 = arith.constant 64 : index
        %swap3A_541 = tpu.vector_load %arg7[%swap3A_538, %swap3A_539, %swap3A_540] {strides = array<i32>} : memref<4x200x128xf32, #tpu.memory_space<vmem>>, vector<1x1x16xf32>,
        %swap3A_542 = vector.shape_cast %swap3A_541 : vector<1x1x16xf32> to vector<16xf32>
        %swap3A_543 = vector.shape_cast %add3A_536 : vector<16xf32> to vector<1x1x16xf32>
        tpu.vector_store %arg7[%swap3A_538, %swap3A_539, %swap3A_540], %swap3A_543 {strides = array<i32>} : memref<4x200x128xf32, #tpu.memory_space<vmem>>, vector<1x1x16xf32>,
        %get3A_544 = arith.constant 1 : i32
        %get3A_545 = arith.index_cast %get3A_544 : i32 to index
        %get3A_546 = arith.index_cast %add3A_455 : i32 to index
        %get3A_547 = arith.constant 80 : index
        %get3A_548 = tpu.vector_load %arg7[%get3A_545, %get3A_546, %get3A_547] {strides = array<i32>} : memref<4x200x128xf32, #tpu.memory_space<vmem>>, vector<1x1x16xf32>,
        %get3A_549 = vector.shape_cast %get3A_548 : vector<1x1x16xf32> to vector<16xf32>
        %get3A_550 = arith.index_cast %add3A_455 : i32 to index
        %get3A_551 = arith.constant 80 : index
        %get3A_552 = tpu.vector_load %arg8[%get3A_550, %get3A_551] {strides = array<i32>} : memref<200x128xf32, #tpu.memory_space<vmem>>, vector<1x16xf32>,
        %get3A_553 = vector.shape_cast %get3A_552 : vector<1x16xf32> to vector<16xf32>
        %add3A_554 = arith.addf %get3A_549, %get3A_553 : vector<16xf32>
        %swap3A_555 = arith.constant 1 : i32
        %swap3A_556 = arith.index_cast %swap3A_555 : i32 to index
        %swap3A_557 = arith.index_cast %add3A_455 : i32 to index
        %swap3A_558 = arith.constant 80 : index
        %swap3A_559 = tpu.vector_load %arg7[%swap3A_556, %swap3A_557, %swap3A_558] {strides = array<i32>} : memref<4x200x128xf32, #tpu.memory_space<vmem>>, vector<1x1x16xf32>,
        %swap3A_560 = vector.shape_cast %swap3A_559 : vector<1x1x16xf32> to vector<16xf32>
        %swap3A_561 = vector.shape_cast %add3A_554 : vector<16xf32> to vector<1x1x16xf32>
        tpu.vector_store %arg7[%swap3A_556, %swap3A_557, %swap3A_558], %swap3A_561 {strides = array<i32>} : memref<4x200x128xf32, #tpu.memory_space<vmem>>, vector<1x1x16xf32>,
        %get3A_562 = arith.constant 1 : i32
        %get3A_563 = arith.index_cast %get3A_562 : i32 to index
        %get3A_564 = arith.index_cast %add3A_455 : i32 to index
        %get3A_565 = arith.constant 96 : index
        %get3A_566 = tpu.vector_load %arg7[%get3A_563, %get3A_564, %get3A_565] {strides = array<i32>} : memref<4x200x128xf32, #tpu.memory_space<vmem>>, vector<1x1x16xf32>,
        %get3A_567 = vector.shape_cast %get3A_566 : vector<1x1x16xf32> to vector<16xf32>
        %get3A_568 = arith.index_cast %add3A_455 : i32 to index
        %get3A_569 = arith.constant 96 : index
        %get3A_570 = tpu.vector_load %arg8[%get3A_568, %get3A_569] {strides = array<i32>} : memref<200x128xf32, #tpu.memory_space<vmem>>, vector<1x16xf32>,
        %get3A_571 = vector.shape_cast %get3A_570 : vector<1x16xf32> to vector<16xf32>
        %add3A_572 = arith.addf %get3A_567, %get3A_571 : vector<16xf32>
        %swap3A_573 = arith.constant 1 : i32
        %swap3A_574 = arith.index_cast %swap3A_573 : i32 to index
        %swap3A_575 = arith.index_cast %add3A_455 : i32 to index
        %swap3A_576 = arith.constant 96 : index
        %swap3A_577 = tpu.vector_load %arg7[%swap3A_574, %swap3A_575, %swap3A_576] {strides = array<i32>} : memref<4x200x128xf32, #tpu.memory_space<vmem>>, vector<1x1x16xf32>,
        %swap3A_578 = vector.shape_cast %swap3A_577 : vector<1x1x16xf32> to vector<16xf32>
        %swap3A_579 = vector.shape_cast %add3A_572 : vector<16xf32> to vector<1x1x16xf32>
        tpu.vector_store %arg7[%swap3A_574, %swap3A_575, %swap3A_576], %swap3A_579 {strides = array<i32>} : memref<4x200x128xf32, #tpu.memory_space<vmem>>, vector<1x1x16xf32>,
        %get3A_580 = arith.constant 1 : i32
        %get3A_581 = arith.index_cast %get3A_580 : i32 to index
        %get3A_582 = arith.index_cast %add3A_455 : i32 to index
        %get3A_583 = arith.constant 112 : index
        %get3A_584 = tpu.vector_load %arg7[%get3A_581, %get3A_582, %get3A_583] {strides = array<i32>} : memref<4x200x128xf32, #tpu.memory_space<vmem>>, vector<1x1x16xf32>,
        %get3A_585 = vector.shape_cast %get3A_584 : vector<1x1x16xf32> to vector<16xf32>
        %get3A_586 = arith.index_cast %add3A_455 : i32 to index
        %get3A_587 = arith.constant 112 : index
        %get3A_588 = tpu.vector_load %arg8[%get3A_586, %get3A_587] {strides = array<i32>} : memref<200x128xf32, #tpu.memory_space<vmem>>, vector<1x16xf32>,
        %get3A_589 = vector.shape_cast %get3A_588 : vector<1x16xf32> to vector<16xf32>
        %add3A_590 = arith.addf %get3A_585, %get3A_589 : vector<16xf32>
        %swap3A_591 = arith.constant 1 : i32
        %swap3A_592 = arith.index_cast %swap3A_591 : i32 to index
        %swap3A_593 = arith.index_cast %add3A_455 : i32 to index
        %swap3A_594 = arith.constant 112 : index
        %swap3A_595 = tpu.vector_load %arg7[%swap3A_592, %swap3A_593, %swap3A_594] {strides = array<i32>} : memref<4x200x128xf32, #tpu.memory_space<vmem>>, vector<1x1x16xf32>,
        %swap3A_596 = vector.shape_cast %swap3A_595 : vector<1x1x16xf32> to vector<16xf32>
        %swap3A_597 = vector.shape_cast %add3A_590 : vector<16xf32> to vector<1x1x16xf32>
        tpu.vector_store %arg7[%swap3A_592, %swap3A_593, %swap3A_594], %swap3A_597 {strides = array<i32>} : memref<4x200x128xf32, #tpu.memory_space<vmem>>, vector<1x1x16xf32>,
      }
      %scan3A_300 = arith.constant 200 : i32
      %mul3A_301 = arith.constant 200 : i32
      %mul3A_302 = arith.muli %add3A_269, %mul3A_301 : i32
      %add3A_303 = arith.addi %mul3A_2, %mul3A_302 : i32
      %dma_start3A_304 = arith.constant 1 : i32
      %dma_start3A_305 = arith.constant 0 : i32
      %dma_start3A_306 = arith.constant 0 : i32
      %dma_start3A_307 = tpu.memref_slice %arg7[%dma_start3A_304, %dma_start3A_305, %dma_start3A_306] : memref<4x200x128xf32, #tpu.memory_space<vmem>> -> memref<1x200x128xf32, #tpu.memory_space<vmem>>
      %dma_start3A_308 = tpu.memref_squeeze %dma_start3A_307 : memref<1x200x128xf32, #tpu.memory_space<vmem>> -> memref<200x128xf32, #tpu.memory_space<vmem>>
      %dma_start3A_309 = arith.constant 0 : i32
      %dma_start3A_310 = tpu.memref_slice %arg5[%add3A_303, %dma_start3A_309] : memref<819200x128xf32, #tpu.memory_space<hbm>> -> memref<200x128xf32, #tpu.memory_space<hbm>>
      %dma_start3A_311 = arith.constant 0 : i32
      %dma_start3A_312 = tpu.memref_slice %arg5[%add3A_303, %dma_start3A_311] : memref<819200x128xf32, #tpu.memory_space<hbm>> -> memref<200x128xf32, #tpu.memory_space<hbm>>
      %dma_start3A_313 = arith.constant 0 : i32
      %dma_start3A_314 = arith.constant 0 : i32
      %dma_start3A_315 = tpu.memref_slice %arg7[%dma_start3A_304, %dma_start3A_313, %dma_start3A_314] : memref<4x200x128xf32, #tpu.memory_space<vmem>> -> memref<1x200x128xf32, #tpu.memory_space<vmem>>
      %dma_start3A_316 = tpu.memref_squeeze %dma_start3A_315 : memref<1x200x128xf32, #tpu.memory_space<vmem>> -> memref<200x128xf32, #tpu.memory_space<vmem>>
      tpu.enqueue_dma source(%dma_start3A_316 : memref<200x128xf32, #tpu.memory_space<vmem>>) target(%dma_start3A_312 : memref<200x128xf32, #tpu.memory_space<hbm>>) target_semaphore(%arg14 : memref<!tpu.dma_semaphore, #tpu.memory_space<semaphore_mem>>)
      %sub3A_317 = arith.constant 1 : i32
      %sub3A_318 = arith.subi %add3A_269, %sub3A_317 : i32
      %add3A_319 = arith.constant 4 : i32
      %add3A_320 = arith.addi %sub3A_318, %add3A_319 : i32
      %ge3A_321 = arith.constant 1 : i32
      %ge3A_322 = arith.cmpi sge, %add3A_269, %ge3A_321 : i32
      %lt3A_323 = arith.constant 128 : i32
      %lt3A_324 = arith.cmpi slt, %add3A_320, %lt3A_323 : i32
      %and3A_325 = arith.andi %ge3A_322, %lt3A_324 : i1
      %convert_element_type3A_326 = arith.extui %and3A_325 : i1 to i32
      %cond3A_327 = arith.constant 0 : i32
      %cond3A_328 = arith.cmpi ne, %convert_element_type3A_326, %cond3A_327 : i32
      scf.if %cond3A_328 {
        %dma_wait3A_451 = arith.constant 0 : i32
        %dma_wait3A_452 = arith.constant 0 : i32
        %dma_wait3A_453 = arith.constant 0 : i32
        %dma_wait3A_454 = tpu.memref_slice %arg7[%dma_wait3A_451, %dma_wait3A_452, %dma_wait3A_453] : memref<4x200x128xf32, #tpu.memory_space<vmem>> -> memref<1x200x128xf32, #tpu.memory_space<vmem>>
        %dma_wait3A_455 = tpu.memref_squeeze %dma_wait3A_454 : memref<1x200x128xf32, #tpu.memory_space<vmem>> -> memref<200x128xf32, #tpu.memory_space<vmem>>
        %dma_wait3A_456 = arith.constant 0 : i32
        %dma_wait3A_457 = arith.constant 0 : i32
        %dma_wait3A_458 = tpu.memref_slice %arg5[%dma_wait3A_456, %dma_wait3A_457] : memref<819200x128xf32, #tpu.memory_space<hbm>> -> memref<200x128xf32, #tpu.memory_space<hbm>>
        %dma_wait3A_459 = arith.constant 0 : i32
        %dma_wait3A_460 = arith.constant 0 : i32
        %dma_wait3A_461 = tpu.memref_slice %arg5[%dma_wait3A_459, %dma_wait3A_460] : memref<819200x128xf32, #tpu.memory_space<hbm>> -> memref<200x128xf32, #tpu.memory_space<hbm>>
        %dma_wait3A_462 = arith.constant 0 : i32
        %dma_wait3A_463 = arith.constant 0 : i32
        %dma_wait3A_464 = tpu.memref_slice %arg7[%dma_wait3A_451, %dma_wait3A_462, %dma_wait3A_463] : memref<4x200x128xf32, #tpu.memory_space<vmem>> -> memref<1x200x128xf32, #tpu.memory_space<vmem>>
        %dma_wait3A_465 = tpu.memref_squeeze %dma_wait3A_464 : memref<1x200x128xf32, #tpu.memory_space<vmem>> -> memref<200x128xf32, #tpu.memory_space<vmem>>
        tpu.wait_dma2 semaphore(%arg13 : memref<!tpu.dma_semaphore, #tpu.memory_space<semaphore_mem>>) src(%dma_wait3A_465 : memref<200x128xf32, #tpu.memory_space<vmem>>) dst(%dma_wait3A_461 : memref<200x128xf32, #tpu.memory_space<hbm>>)
        %mul3A_466 = arith.constant 200 : i32
        %mul3A_467 = arith.muli %add3A_320, %mul3A_466 : i32
        %add3A_468 = arith.addi %mul3A_2, %mul3A_467 : i32
        %run_scoped3A_469 = arith.constant 0 : i32
        %run_scoped3A_470 = arith.constant 0 : i32
        "tpu.region"() ({
          %run_scoped3A_501 = tpu.sem_alloc : memref<!tpu.dma_semaphore, #tpu.memory_space<semaphore_mem>>
          %dma_start3A_502 = arith.constant 0 : i32
          %dma_start3A_503 = tpu.memref_slice %arg6[%run_scoped3A_469, %run_scoped3A_470, %dma_start3A_502] : memref<4x2x104xi32, #tpu.memory_space<vmem>> -> memref<1x1x104xi32, #tpu.memory_space<vmem>>
          %dma_start3A_504 = tpu.memref_squeeze %dma_start3A_503 : memref<1x1x104xi32, #tpu.memory_space<vmem>> -> memref<104xi32, #tpu.memory_space<vmem>>
          %dma_start3A_505 = tpu.memref_slice %arg2[%add3A_468] : memref<819200xi32, #tpu.memory_space<hbm>> -> memref<104xi32, #tpu.memory_space<hbm>>
          %dma_start3A_506 = arith.constant 0 : i32
          %dma_start3A_507 = tpu.memref_slice %arg6[%run_scoped3A_469, %run_scoped3A_470, %dma_start3A_506] : memref<4x2x104xi32, #tpu.memory_space<vmem>> -> memref<1x1x104xi32, #tpu.memory_space<vmem>>
          %dma_start3A_508 = tpu.memref_squeeze %dma_start3A_507 : memref<1x1x104xi32, #tpu.memory_space<vmem>> -> memref<104xi32, #tpu.memory_space<vmem>>
          %dma_start3A_509 = tpu.memref_slice %arg2[%add3A_468] : memref<819200xi32, #tpu.memory_space<hbm>> -> memref<104xi32, #tpu.memory_space<hbm>>
          tpu.enqueue_dma source(%dma_start3A_509 : memref<104xi32, #tpu.memory_space<hbm>>) target(%dma_start3A_508 : memref<104xi32, #tpu.memory_space<vmem>>) target_semaphore(%run_scoped3A_501 : memref<!tpu.dma_semaphore, #tpu.memory_space<semaphore_mem>>)
          %dma_wait3A_510 = arith.constant 0 : i32
          %dma_wait3A_511 = tpu.memref_slice %arg6[%run_scoped3A_469, %run_scoped3A_470, %dma_wait3A_510] : memref<4x2x104xi32, #tpu.memory_space<vmem>> -> memref<1x1x104xi32, #tpu.memory_space<vmem>>
          %dma_wait3A_512 = tpu.memref_squeeze %dma_wait3A_511 : memref<1x1x104xi32, #tpu.memory_space<vmem>> -> memref<104xi32, #tpu.memory_space<vmem>>
          %dma_wait3A_513 = tpu.memref_slice %arg2[%add3A_468] : memref<819200xi32, #tpu.memory_space<hbm>> -> memref<104xi32, #tpu.memory_space<hbm>>
          %dma_wait3A_514 = arith.constant 0 : i32
          %dma_wait3A_515 = tpu.memref_slice %arg6[%run_scoped3A_469, %run_scoped3A_470, %dma_wait3A_514] : memref<4x2x104xi32, #tpu.memory_space<vmem>> -> memref<1x1x104xi32, #tpu.memory_space<vmem>>
          %dma_wait3A_516 = tpu.memref_squeeze %dma_wait3A_515 : memref<1x1x104xi32, #tpu.memory_space<vmem>> -> memref<104xi32, #tpu.memory_space<vmem>>
          %dma_wait3A_517 = tpu.memref_slice %arg2[%add3A_468] : memref<819200xi32, #tpu.memory_space<hbm>> -> memref<104xi32, #tpu.memory_space<hbm>>
          tpu.wait_dma2 semaphore(%run_scoped3A_501 : memref<!tpu.dma_semaphore, #tpu.memory_space<semaphore_mem>>) src(%dma_wait3A_517 : memref<104xi32, #tpu.memory_space<hbm>>) dst(%dma_wait3A_516 : memref<104xi32, #tpu.memory_space<vmem>>)
          tpu.yield
        }) : () -> ()
        %dma_start3A_471 = arith.constant 0 : i32
        %dma_start3A_472 = arith.constant 0 : i32
        %dma_start3A_473 = arith.constant 0 : i32
        %dma_start3A_474 = arith.constant 0 : i32
        %dma_start3A_475 = arith.constant 0 : i32
        %dma_start3A_476 = tpu.memref_slice %arg7[%dma_start3A_473, %dma_start3A_474, %dma_start3A_475] : memref<4x200x128xf32, #tpu.memory_space<vmem>> -> memref<1x104x128xf32, #tpu.memory_space<vmem>>
        %dma_start3A_477 = tpu.memref_squeeze %dma_start3A_476 : memref<1x104x128xf32, #tpu.memory_space<vmem>> -> memref<104x128xf32, #tpu.memory_space<vmem>>
        %dma_start3A_478 = arith.constant 0 : i32
        %dma_start3A_479 = tpu.memref_slice %arg6[%dma_start3A_471, %dma_start3A_472, %dma_start3A_478] : memref<4x2x104xi32, #tpu.memory_space<vmem>> -> memref<1x1x104xi32, #tpu.memory_space<vmem>>
        %dma_start3A_480 = tpu.memref_squeeze %dma_start3A_479 : memref<1x1x104xi32, #tpu.memory_space<vmem>> -> memref<104xi32, #tpu.memory_space<vmem>>
        %dma_start3A_481 = arith.constant 0 : i32
        %dma_start3A_482 = arith.constant 0 : i32
        %dma_start3A_483 = tpu.memref_slice %arg3[%dma_start3A_481, %dma_start3A_482] : memref<100000x128xf32, #tpu.memory_space<hbm>> -> memref<100000x128xf32, #tpu.memory_space<hbm>>
        tpu.enqueue_indirect_dma source(%dma_start3A_483 : memref<100000x128xf32, #tpu.memory_space<hbm>>) target(%dma_start3A_477 : memref<104x128xf32, #tpu.memory_space<vmem>>) offsets(%dma_start3A_480 : memref<104xi32, #tpu.memory_space<vmem>>) semaphore(%arg9 : memref<!tpu.dma_semaphore, #tpu.memory_space<semaphore_mem>>)
        %add3A_484 = arith.constant 104 : i32
        %add3A_485 = arith.addi %add3A_468, %add3A_484 : i32
        %run_scoped3A_486 = arith.constant 0 : i32
        %run_scoped3A_487 = arith.constant 1 : i32
        "tpu.region"() ({
          %run_scoped3A_501 = tpu.sem_alloc : memref<!tpu.dma_semaphore, #tpu.memory_space<semaphore_mem>>
          %dma_start3A_502 = arith.constant 0 : i32
          %dma_start3A_503 = tpu.memref_slice %arg6[%run_scoped3A_486, %run_scoped3A_487, %dma_start3A_502] : memref<4x2x104xi32, #tpu.memory_space<vmem>> -> memref<1x1x96xi32, #tpu.memory_space<vmem>>
          %dma_start3A_504 = tpu.memref_squeeze %dma_start3A_503 : memref<1x1x96xi32, #tpu.memory_space<vmem>> -> memref<96xi32, #tpu.memory_space<vmem>>
          %dma_start3A_505 = tpu.memref_slice %arg2[%add3A_485] : memref<819200xi32, #tpu.memory_space<hbm>> -> memref<96xi32, #tpu.memory_space<hbm>>
          %dma_start3A_506 = arith.constant 0 : i32
          %dma_start3A_507 = tpu.memref_slice %arg6[%run_scoped3A_486, %run_scoped3A_487, %dma_start3A_506] : memref<4x2x104xi32, #tpu.memory_space<vmem>> -> memref<1x1x96xi32, #tpu.memory_space<vmem>>
          %dma_start3A_508 = tpu.memref_squeeze %dma_start3A_507 : memref<1x1x96xi32, #tpu.memory_space<vmem>> -> memref<96xi32, #tpu.memory_space<vmem>>
          %dma_start3A_509 = tpu.memref_slice %arg2[%add3A_485] : memref<819200xi32, #tpu.memory_space<hbm>> -> memref<96xi32, #tpu.memory_space<hbm>>
          tpu.enqueue_dma source(%dma_start3A_509 : memref<96xi32, #tpu.memory_space<hbm>>) target(%dma_start3A_508 : memref<96xi32, #tpu.memory_space<vmem>>) target_semaphore(%run_scoped3A_501 : memref<!tpu.dma_semaphore, #tpu.memory_space<semaphore_mem>>)
          %dma_wait3A_510 = arith.constant 0 : i32
          %dma_wait3A_511 = tpu.memref_slice %arg6[%run_scoped3A_486, %run_scoped3A_487, %dma_wait3A_510] : memref<4x2x104xi32, #tpu.memory_space<vmem>> -> memref<1x1x96xi32, #tpu.memory_space<vmem>>
          %dma_wait3A_512 = tpu.memref_squeeze %dma_wait3A_511 : memref<1x1x96xi32, #tpu.memory_space<vmem>> -> memref<96xi32, #tpu.memory_space<vmem>>
          %dma_wait3A_513 = tpu.memref_slice %arg2[%add3A_485] : memref<819200xi32, #tpu.memory_space<hbm>> -> memref<96xi32, #tpu.memory_space<hbm>>
          %dma_wait3A_514 = arith.constant 0 : i32
          %dma_wait3A_515 = tpu.memref_slice %arg6[%run_scoped3A_486, %run_scoped3A_487, %dma_wait3A_514] : memref<4x2x104xi32, #tpu.memory_space<vmem>> -> memref<1x1x96xi32, #tpu.memory_space<vmem>>
          %dma_wait3A_516 = tpu.memref_squeeze %dma_wait3A_515 : memref<1x1x96xi32, #tpu.memory_space<vmem>> -> memref<96xi32, #tpu.memory_space<vmem>>
          %dma_wait3A_517 = tpu.memref_slice %arg2[%add3A_485] : memref<819200xi32, #tpu.memory_space<hbm>> -> memref<96xi32, #tpu.memory_space<hbm>>
          tpu.wait_dma2 semaphore(%run_scoped3A_501 : memref<!tpu.dma_semaphore, #tpu.memory_space<semaphore_mem>>) src(%dma_wait3A_517 : memref<96xi32, #tpu.memory_space<hbm>>) dst(%dma_wait3A_516 : memref<96xi32, #tpu.memory_space<vmem>>)
          tpu.yield
        }) : () -> ()
        %dma_start3A_488 = arith.constant 0 : i32
        %dma_start3A_489 = arith.constant 1 : i32
        %dma_start3A_490 = arith.constant 0 : i32
        %dma_start3A_491 = arith.constant 104 : i32
        %dma_start3A_492 = arith.constant 0 : i32
        %dma_start3A_493 = tpu.memref_slice %arg7[%dma_start3A_490, %dma_start3A_491, %dma_start3A_492] : memref<4x200x128xf32, #tpu.memory_space<vmem>> -> memref<1x96x128xf32, #tpu.memory_space<vmem>>
        %dma_start3A_494 = tpu.memref_squeeze %dma_start3A_493 : memref<1x96x128xf32, #tpu.memory_space<vmem>> -> memref<96x128xf32, #tpu.memory_space<vmem>>
        %dma_start3A_495 = arith.constant 0 : i32
        %dma_start3A_496 = tpu.memref_slice %arg6[%dma_start3A_488, %dma_start3A_489, %dma_start3A_495] : memref<4x2x104xi32, #tpu.memory_space<vmem>> -> memref<1x1x96xi32, #tpu.memory_space<vmem>>
        %dma_start3A_497 = tpu.memref_squeeze %dma_start3A_496 : memref<1x1x96xi32, #tpu.memory_space<vmem>> -> memref<96xi32, #tpu.memory_space<vmem>>
        %dma_start3A_498 = arith.constant 0 : i32
        %dma_start3A_499 = arith.constant 0 : i32
        %dma_start3A_500 = tpu.memref_slice %arg3[%dma_start3A_498, %dma_start3A_499] : memref<100000x128xf32, #tpu.memory_space<hbm>> -> memref<100000x128xf32, #tpu.memory_space<hbm>>
        tpu.enqueue_indirect_dma source(%dma_start3A_500 : memref<100000x128xf32, #tpu.memory_space<hbm>>) target(%dma_start3A_494 : memref<96x128xf32, #tpu.memory_space<vmem>>) offsets(%dma_start3A_497 : memref<96xi32, #tpu.memory_space<vmem>>) semaphore(%arg9 : memref<!tpu.dma_semaphore, #tpu.memory_space<semaphore_mem>>)
      } else {
      }
      %add3A_329 = arith.constant 2 : i32
      %add3A_330 = arith.addi %add3A_212, %add3A_329 : i32
      %dma_wait3A_331 = arith.constant 2 : i32
      %dma_wait3A_332 = arith.constant 0 : i32
      %dma_wait3A_333 = arith.constant 2 : i32
      %dma_wait3A_334 = arith.constant 0 : i32
      %dma_wait3A_335 = arith.constant 0 : i32
      %dma_wait3A_336 = tpu.memref_slice %arg7[%dma_wait3A_333, %dma_wait3A_334, %dma_wait3A_335] : memref<4x200x128xf32, #tpu.memory_space<vmem>> -> memref<1x104x128xf32, #tpu.memory_space<vmem>>
      %dma_wait3A_337 = tpu.memref_squeeze %dma_wait3A_336 : memref<1x104x128xf32, #tpu.memory_space<vmem>> -> memref<104x128xf32, #tpu.memory_space<vmem>>
      %dma_wait3A_338 = arith.constant 0 : i32
      %dma_wait3A_339 = tpu.memref_slice %arg6[%dma_wait3A_331, %dma_wait3A_332, %dma_wait3A_338] : memref<4x2x104xi32, #tpu.memory_space<vmem>> -> memref<1x1x104xi32, #tpu.memory_space<vmem>>
      %dma_wait3A_340 = tpu.memref_squeeze %dma_wait3A_339 : memref<1x1x104xi32, #tpu.memory_space<vmem>> -> memref<104xi32, #tpu.memory_space<vmem>>
      %dma_wait3A_341 = arith.constant 0 : i32
      %dma_wait3A_342 = arith.constant 0 : i32
      %dma_wait3A_343 = tpu.memref_slice %arg3[%dma_wait3A_341, %dma_wait3A_342] : memref<100000x128xf32, #tpu.memory_space<hbm>> -> memref<100000x128xf32, #tpu.memory_space<hbm>>
      tpu.wait_indirect_dma semaphore(%arg11 : memref<!tpu.dma_semaphore, #tpu.memory_space<semaphore_mem>>) src(%dma_wait3A_343 : memref<100000x128xf32, #tpu.memory_space<hbm>>) dst(%dma_wait3A_337 : memref<104x128xf32, #tpu.memory_space<vmem>>)
      %dma_wait3A_344 = arith.constant 2 : i32
      %dma_wait3A_345 = arith.constant 1 : i32
      %dma_wait3A_346 = arith.constant 2 : i32
      %dma_wait3A_347 = arith.constant 104 : i32
      %dma_wait3A_348 = arith.constant 0 : i32
      %dma_wait3A_349 = tpu.memref_slice %arg7[%dma_wait3A_346, %dma_wait3A_347, %dma_wait3A_348] : memref<4x200x128xf32, #tpu.memory_space<vmem>> -> memref<1x96x128xf32, #tpu.memory_space<vmem>>
      %dma_wait3A_350 = tpu.memref_squeeze %dma_wait3A_349 : memref<1x96x128xf32, #tpu.memory_space<vmem>> -> memref<96x128xf32, #tpu.memory_space<vmem>>
      %dma_wait3A_351 = arith.constant 0 : i32
      %dma_wait3A_352 = tpu.memref_slice %arg6[%dma_wait3A_344, %dma_wait3A_345, %dma_wait3A_351] : memref<4x2x104xi32, #tpu.memory_space<vmem>> -> memref<1x1x96xi32, #tpu.memory_space<vmem>>
      %dma_wait3A_353 = tpu.memref_squeeze %dma_wait3A_352 : memref<1x1x96xi32, #tpu.memory_space<vmem>> -> memref<96xi32, #tpu.memory_space<vmem>>
      %dma_wait3A_354 = arith.constant 0 : i32
      %dma_wait3A_355 = arith.constant 0 : i32
      %dma_wait3A_356 = tpu.memref_slice %arg3[%dma_wait3A_354, %dma_wait3A_355] : memref<100000x128xf32, #tpu.memory_space<hbm>> -> memref<100000x128xf32, #tpu.memory_space<hbm>>
      tpu.wait_indirect_dma semaphore(%arg11 : memref<!tpu.dma_semaphore, #tpu.memory_space<semaphore_mem>>) src(%dma_wait3A_356 : memref<100000x128xf32, #tpu.memory_space<hbm>>) dst(%dma_wait3A_350 : memref<96x128xf32, #tpu.memory_space<vmem>>)
      %scan3A_357 = arith.constant 0 : i32
      %scan3A_358 = arith.constant 200 : i32
      %scan3A_359 = arith.addi %scan3A_357, %scan3A_358 : i32
      %scan3A_360 = arith.constant 1 : i32
      scf.for %scan3A_451 = %scan3A_357 to %scan3A_359 step %scan3A_360  : i32 {
        %mul3A_452 = arith.constant 1 : i32
        %mul3A_453 = arith.muli %scan3A_451, %mul3A_452 : i32
        %add3A_454 = arith.constant 0 : i32
        %add3A_455 = arith.addi %add3A_454, %mul3A_453 : i32
        %get3A = arith.constant 2 : i32
        %get3A_456 = arith.index_cast %get3A : i32 to index
        %get3A_457 = arith.index_cast %add3A_455 : i32 to index
        %get3A_458 = arith.constant 0 : index
        %get3A_459 = tpu.vector_load %arg7[%get3A_456, %get3A_457, %get3A_458] {strides = array<i32>} : memref<4x200x128xf32, #tpu.memory_space<vmem>>, vector<1x1x16xf32>,
        %get3A_460 = vector.shape_cast %get3A_459 : vector<1x1x16xf32> to vector<16xf32>
        %get3A_461 = arith.index_cast %add3A_455 : i32 to index
        %get3A_462 = arith.constant 0 : index
        %get3A_463 = tpu.vector_load %arg8[%get3A_461, %get3A_462] {strides = array<i32>} : memref<200x128xf32, #tpu.memory_space<vmem>>, vector<1x16xf32>,
        %get3A_464 = vector.shape_cast %get3A_463 : vector<1x16xf32> to vector<16xf32>
        %add3A_465 = arith.addf %get3A_460, %get3A_464 : vector<16xf32>
        %swap3A = arith.constant 2 : i32
        %swap3A_466 = arith.index_cast %swap3A : i32 to index
        %swap3A_467 = arith.index_cast %add3A_455 : i32 to index
        %swap3A_468 = arith.constant 0 : index
        %swap3A_469 = tpu.vector_load %arg7[%swap3A_466, %swap3A_467, %swap3A_468] {strides = array<i32>} : memref<4x200x128xf32, #tpu.memory_space<vmem>>, vector<1x1x16xf32>,
        %swap3A_470 = vector.shape_cast %swap3A_469 : vector<1x1x16xf32> to vector<16xf32>
        %swap3A_471 = vector.shape_cast %add3A_465 : vector<16xf32> to vector<1x1x16xf32>
        tpu.vector_store %arg7[%swap3A_466, %swap3A_467, %swap3A_468], %swap3A_471 {strides = array<i32>} : memref<4x200x128xf32, #tpu.memory_space<vmem>>, vector<1x1x16xf32>,
        %get3A_472 = arith.constant 2 : i32
        %get3A_473 = arith.index_cast %get3A_472 : i32 to index
        %get3A_474 = arith.index_cast %add3A_455 : i32 to index
        %get3A_475 = arith.constant 16 : index
        %get3A_476 = tpu.vector_load %arg7[%get3A_473, %get3A_474, %get3A_475] {strides = array<i32>} : memref<4x200x128xf32, #tpu.memory_space<vmem>>, vector<1x1x16xf32>,
        %get3A_477 = vector.shape_cast %get3A_476 : vector<1x1x16xf32> to vector<16xf32>
        %get3A_478 = arith.index_cast %add3A_455 : i32 to index
        %get3A_479 = arith.constant 16 : index
        %get3A_480 = tpu.vector_load %arg8[%get3A_478, %get3A_479] {strides = array<i32>} : memref<200x128xf32, #tpu.memory_space<vmem>>, vector<1x16xf32>,
        %get3A_481 = vector.shape_cast %get3A_480 : vector<1x16xf32> to vector<16xf32>
        %add3A_482 = arith.addf %get3A_477, %get3A_481 : vector<16xf32>
        %swap3A_483 = arith.constant 2 : i32
        %swap3A_484 = arith.index_cast %swap3A_483 : i32 to index
        %swap3A_485 = arith.index_cast %add3A_455 : i32 to index
        %swap3A_486 = arith.constant 16 : index
        %swap3A_487 = tpu.vector_load %arg7[%swap3A_484, %swap3A_485, %swap3A_486] {strides = array<i32>} : memref<4x200x128xf32, #tpu.memory_space<vmem>>, vector<1x1x16xf32>,
        %swap3A_488 = vector.shape_cast %swap3A_487 : vector<1x1x16xf32> to vector<16xf32>
        %swap3A_489 = vector.shape_cast %add3A_482 : vector<16xf32> to vector<1x1x16xf32>
        tpu.vector_store %arg7[%swap3A_484, %swap3A_485, %swap3A_486], %swap3A_489 {strides = array<i32>} : memref<4x200x128xf32, #tpu.memory_space<vmem>>, vector<1x1x16xf32>,
        %get3A_490 = arith.constant 2 : i32
        %get3A_491 = arith.index_cast %get3A_490 : i32 to index
        %get3A_492 = arith.index_cast %add3A_455 : i32 to index
        %get3A_493 = arith.constant 32 : index
        %get3A_494 = tpu.vector_load %arg7[%get3A_491, %get3A_492, %get3A_493] {strides = array<i32>} : memref<4x200x128xf32, #tpu.memory_space<vmem>>, vector<1x1x16xf32>,
        %get3A_495 = vector.shape_cast %get3A_494 : vector<1x1x16xf32> to vector<16xf32>
        %get3A_496 = arith.index_cast %add3A_455 : i32 to index
        %get3A_497 = arith.constant 32 : index
        %get3A_498 = tpu.vector_load %arg8[%get3A_496, %get3A_497] {strides = array<i32>} : memref<200x128xf32, #tpu.memory_space<vmem>>, vector<1x16xf32>,
        %get3A_499 = vector.shape_cast %get3A_498 : vector<1x16xf32> to vector<16xf32>
        %add3A_500 = arith.addf %get3A_495, %get3A_499 : vector<16xf32>
        %swap3A_501 = arith.constant 2 : i32
        %swap3A_502 = arith.index_cast %swap3A_501 : i32 to index
        %swap3A_503 = arith.index_cast %add3A_455 : i32 to index
        %swap3A_504 = arith.constant 32 : index
        %swap3A_505 = tpu.vector_load %arg7[%swap3A_502, %swap3A_503, %swap3A_504] {strides = array<i32>} : memref<4x200x128xf32, #tpu.memory_space<vmem>>, vector<1x1x16xf32>,
        %swap3A_506 = vector.shape_cast %swap3A_505 : vector<1x1x16xf32> to vector<16xf32>
        %swap3A_507 = vector.shape_cast %add3A_500 : vector<16xf32> to vector<1x1x16xf32>
        tpu.vector_store %arg7[%swap3A_502, %swap3A_503, %swap3A_504], %swap3A_507 {strides = array<i32>} : memref<4x200x128xf32, #tpu.memory_space<vmem>>, vector<1x1x16xf32>,
        %get3A_508 = arith.constant 2 : i32
        %get3A_509 = arith.index_cast %get3A_508 : i32 to index
        %get3A_510 = arith.index_cast %add3A_455 : i32 to index
        %get3A_511 = arith.constant 48 : index
        %get3A_512 = tpu.vector_load %arg7[%get3A_509, %get3A_510, %get3A_511] {strides = array<i32>} : memref<4x200x128xf32, #tpu.memory_space<vmem>>, vector<1x1x16xf32>,
        %get3A_513 = vector.shape_cast %get3A_512 : vector<1x1x16xf32> to vector<16xf32>
        %get3A_514 = arith.index_cast %add3A_455 : i32 to index
        %get3A_515 = arith.constant 48 : index
        %get3A_516 = tpu.vector_load %arg8[%get3A_514, %get3A_515] {strides = array<i32>} : memref<200x128xf32, #tpu.memory_space<vmem>>, vector<1x16xf32>,
        %get3A_517 = vector.shape_cast %get3A_516 : vector<1x16xf32> to vector<16xf32>
        %add3A_518 = arith.addf %get3A_513, %get3A_517 : vector<16xf32>
        %swap3A_519 = arith.constant 2 : i32
        %swap3A_520 = arith.index_cast %swap3A_519 : i32 to index
        %swap3A_521 = arith.index_cast %add3A_455 : i32 to index
        %swap3A_522 = arith.constant 48 : index
        %swap3A_523 = tpu.vector_load %arg7[%swap3A_520, %swap3A_521, %swap3A_522] {strides = array<i32>} : memref<4x200x128xf32, #tpu.memory_space<vmem>>, vector<1x1x16xf32>,
        %swap3A_524 = vector.shape_cast %swap3A_523 : vector<1x1x16xf32> to vector<16xf32>
        %swap3A_525 = vector.shape_cast %add3A_518 : vector<16xf32> to vector<1x1x16xf32>
        tpu.vector_store %arg7[%swap3A_520, %swap3A_521, %swap3A_522], %swap3A_525 {strides = array<i32>} : memref<4x200x128xf32, #tpu.memory_space<vmem>>, vector<1x1x16xf32>,
        %get3A_526 = arith.constant 2 : i32
        %get3A_527 = arith.index_cast %get3A_526 : i32 to index
        %get3A_528 = arith.index_cast %add3A_455 : i32 to index
        %get3A_529 = arith.constant 64 : index
        %get3A_530 = tpu.vector_load %arg7[%get3A_527, %get3A_528, %get3A_529] {strides = array<i32>} : memref<4x200x128xf32, #tpu.memory_space<vmem>>, vector<1x1x16xf32>,
        %get3A_531 = vector.shape_cast %get3A_530 : vector<1x1x16xf32> to vector<16xf32>
        %get3A_532 = arith.index_cast %add3A_455 : i32 to index
        %get3A_533 = arith.constant 64 : index
        %get3A_534 = tpu.vector_load %arg8[%get3A_532, %get3A_533] {strides = array<i32>} : memref<200x128xf32, #tpu.memory_space<vmem>>, vector<1x16xf32>,
        %get3A_535 = vector.shape_cast %get3A_534 : vector<1x16xf32> to vector<16xf32>
        %add3A_536 = arith.addf %get3A_531, %get3A_535 : vector<16xf32>
        %swap3A_537 = arith.constant 2 : i32
        %swap3A_538 = arith.index_cast %swap3A_537 : i32 to index
        %swap3A_539 = arith.index_cast %add3A_455 : i32 to index
        %swap3A_540 = arith.constant 64 : index
        %swap3A_541 = tpu.vector_load %arg7[%swap3A_538, %swap3A_539, %swap3A_540] {strides = array<i32>} : memref<4x200x128xf32, #tpu.memory_space<vmem>>, vector<1x1x16xf32>,
        %swap3A_542 = vector.shape_cast %swap3A_541 : vector<1x1x16xf32> to vector<16xf32>
        %swap3A_543 = vector.shape_cast %add3A_536 : vector<16xf32> to vector<1x1x16xf32>
        tpu.vector_store %arg7[%swap3A_538, %swap3A_539, %swap3A_540], %swap3A_543 {strides = array<i32>} : memref<4x200x128xf32, #tpu.memory_space<vmem>>, vector<1x1x16xf32>,
        %get3A_544 = arith.constant 2 : i32
        %get3A_545 = arith.index_cast %get3A_544 : i32 to index
        %get3A_546 = arith.index_cast %add3A_455 : i32 to index
        %get3A_547 = arith.constant 80 : index
        %get3A_548 = tpu.vector_load %arg7[%get3A_545, %get3A_546, %get3A_547] {strides = array<i32>} : memref<4x200x128xf32, #tpu.memory_space<vmem>>, vector<1x1x16xf32>,
        %get3A_549 = vector.shape_cast %get3A_548 : vector<1x1x16xf32> to vector<16xf32>
        %get3A_550 = arith.index_cast %add3A_455 : i32 to index
        %get3A_551 = arith.constant 80 : index
        %get3A_552 = tpu.vector_load %arg8[%get3A_550, %get3A_551] {strides = array<i32>} : memref<200x128xf32, #tpu.memory_space<vmem>>, vector<1x16xf32>,
        %get3A_553 = vector.shape_cast %get3A_552 : vector<1x16xf32> to vector<16xf32>
        %add3A_554 = arith.addf %get3A_549, %get3A_553 : vector<16xf32>
        %swap3A_555 = arith.constant 2 : i32
        %swap3A_556 = arith.index_cast %swap3A_555 : i32 to index
        %swap3A_557 = arith.index_cast %add3A_455 : i32 to index
        %swap3A_558 = arith.constant 80 : index
        %swap3A_559 = tpu.vector_load %arg7[%swap3A_556, %swap3A_557, %swap3A_558] {strides = array<i32>} : memref<4x200x128xf32, #tpu.memory_space<vmem>>, vector<1x1x16xf32>,
        %swap3A_560 = vector.shape_cast %swap3A_559 : vector<1x1x16xf32> to vector<16xf32>
        %swap3A_561 = vector.shape_cast %add3A_554 : vector<16xf32> to vector<1x1x16xf32>
        tpu.vector_store %arg7[%swap3A_556, %swap3A_557, %swap3A_558], %swap3A_561 {strides = array<i32>} : memref<4x200x128xf32, #tpu.memory_space<vmem>>, vector<1x1x16xf32>,
        %get3A_562 = arith.constant 2 : i32
        %get3A_563 = arith.index_cast %get3A_562 : i32 to index
        %get3A_564 = arith.index_cast %add3A_455 : i32 to index
        %get3A_565 = arith.constant 96 : index
        %get3A_566 = tpu.vector_load %arg7[%get3A_563, %get3A_564, %get3A_565] {strides = array<i32>} : memref<4x200x128xf32, #tpu.memory_space<vmem>>, vector<1x1x16xf32>,
        %get3A_567 = vector.shape_cast %get3A_566 : vector<1x1x16xf32> to vector<16xf32>
        %get3A_568 = arith.index_cast %add3A_455 : i32 to index
        %get3A_569 = arith.constant 96 : index
        %get3A_570 = tpu.vector_load %arg8[%get3A_568, %get3A_569] {strides = array<i32>} : memref<200x128xf32, #tpu.memory_space<vmem>>, vector<1x16xf32>,
        %get3A_571 = vector.shape_cast %get3A_570 : vector<1x16xf32> to vector<16xf32>
        %add3A_572 = arith.addf %get3A_567, %get3A_571 : vector<16xf32>
        %swap3A_573 = arith.constant 2 : i32
        %swap3A_574 = arith.index_cast %swap3A_573 : i32 to index
        %swap3A_575 = arith.index_cast %add3A_455 : i32 to index
        %swap3A_576 = arith.constant 96 : index
        %swap3A_577 = tpu.vector_load %arg7[%swap3A_574, %swap3A_575, %swap3A_576] {strides = array<i32>} : memref<4x200x128xf32, #tpu.memory_space<vmem>>, vector<1x1x16xf32>,
        %swap3A_578 = vector.shape_cast %swap3A_577 : vector<1x1x16xf32> to vector<16xf32>
        %swap3A_579 = vector.shape_cast %add3A_572 : vector<16xf32> to vector<1x1x16xf32>
        tpu.vector_store %arg7[%swap3A_574, %swap3A_575, %swap3A_576], %swap3A_579 {strides = array<i32>} : memref<4x200x128xf32, #tpu.memory_space<vmem>>, vector<1x1x16xf32>,
        %get3A_580 = arith.constant 2 : i32
        %get3A_581 = arith.index_cast %get3A_580 : i32 to index
        %get3A_582 = arith.index_cast %add3A_455 : i32 to index
        %get3A_583 = arith.constant 112 : index
        %get3A_584 = tpu.vector_load %arg7[%get3A_581, %get3A_582, %get3A_583] {strides = array<i32>} : memref<4x200x128xf32, #tpu.memory_space<vmem>>, vector<1x1x16xf32>,
        %get3A_585 = vector.shape_cast %get3A_584 : vector<1x1x16xf32> to vector<16xf32>
        %get3A_586 = arith.index_cast %add3A_455 : i32 to index
        %get3A_587 = arith.constant 112 : index
        %get3A_588 = tpu.vector_load %arg8[%get3A_586, %get3A_587] {strides = array<i32>} : memref<200x128xf32, #tpu.memory_space<vmem>>, vector<1x16xf32>,
        %get3A_589 = vector.shape_cast %get3A_588 : vector<1x16xf32> to vector<16xf32>
        %add3A_590 = arith.addf %get3A_585, %get3A_589 : vector<16xf32>
        %swap3A_591 = arith.constant 2 : i32
        %swap3A_592 = arith.index_cast %swap3A_591 : i32 to index
        %swap3A_593 = arith.index_cast %add3A_455 : i32 to index
        %swap3A_594 = arith.constant 112 : index
        %swap3A_595 = tpu.vector_load %arg7[%swap3A_592, %swap3A_593, %swap3A_594] {strides = array<i32>} : memref<4x200x128xf32, #tpu.memory_space<vmem>>, vector<1x1x16xf32>,
        %swap3A_596 = vector.shape_cast %swap3A_595 : vector<1x1x16xf32> to vector<16xf32>
        %swap3A_597 = vector.shape_cast %add3A_590 : vector<16xf32> to vector<1x1x16xf32>
        tpu.vector_store %arg7[%swap3A_592, %swap3A_593, %swap3A_594], %swap3A_597 {strides = array<i32>} : memref<4x200x128xf32, #tpu.memory_space<vmem>>, vector<1x1x16xf32>,
      }
      %scan3A_361 = arith.constant 200 : i32
      %mul3A_362 = arith.constant 200 : i32
      %mul3A_363 = arith.muli %add3A_330, %mul3A_362 : i32
      %add3A_364 = arith.addi %mul3A_2, %mul3A_363 : i32
      %dma_start3A_365 = arith.constant 2 : i32
      %dma_start3A_366 = arith.constant 0 : i32
      %dma_start3A_367 = arith.constant 0 : i32
      %dma_start3A_368 = tpu.memref_slice %arg7[%dma_start3A_365, %dma_start3A_366, %dma_start3A_367] : memref<4x200x128xf32, #tpu.memory_space<vmem>> -> memref<1x200x128xf32, #tpu.memory_space<vmem>>
      %dma_start3A_369 = tpu.memref_squeeze %dma_start3A_368 : memref<1x200x128xf32, #tpu.memory_space<vmem>> -> memref<200x128xf32, #tpu.memory_space<vmem>>
      %dma_start3A_370 = arith.constant 0 : i32
      %dma_start3A_371 = tpu.memref_slice %arg5[%add3A_364, %dma_start3A_370] : memref<819200x128xf32, #tpu.memory_space<hbm>> -> memref<200x128xf32, #tpu.memory_space<hbm>>
      %dma_start3A_372 = arith.constant 0 : i32
      %dma_start3A_373 = tpu.memref_slice %arg5[%add3A_364, %dma_start3A_372] : memref<819200x128xf32, #tpu.memory_space<hbm>> -> memref<200x128xf32, #tpu.memory_space<hbm>>
      %dma_start3A_374 = arith.constant 0 : i32
      %dma_start3A_375 = arith.constant 0 : i32
      %dma_start3A_376 = tpu.memref_slice %arg7[%dma_start3A_365, %dma_start3A_374, %dma_start3A_375] : memref<4x200x128xf32, #tpu.memory_space<vmem>> -> memref<1x200x128xf32, #tpu.memory_space<vmem>>
      %dma_start3A_377 = tpu.memref_squeeze %dma_start3A_376 : memref<1x200x128xf32, #tpu.memory_space<vmem>> -> memref<200x128xf32, #tpu.memory_space<vmem>>
      tpu.enqueue_dma source(%dma_start3A_377 : memref<200x128xf32, #tpu.memory_space<vmem>>) target(%dma_start3A_373 : memref<200x128xf32, #tpu.memory_space<hbm>>) target_semaphore(%arg15 : memref<!tpu.dma_semaphore, #tpu.memory_space<semaphore_mem>>)
      %sub3A_378 = arith.constant 1 : i32
      %sub3A_379 = arith.subi %add3A_330, %sub3A_378 : i32
      %add3A_380 = arith.constant 4 : i32
      %add3A_381 = arith.addi %sub3A_379, %add3A_380 : i32
      %ge3A_382 = arith.constant 1 : i32
      %ge3A_383 = arith.cmpi sge, %add3A_330, %ge3A_382 : i32
      %lt3A_384 = arith.constant 128 : i32
      %lt3A_385 = arith.cmpi slt, %add3A_381, %lt3A_384 : i32
      %and3A_386 = arith.andi %ge3A_383, %lt3A_385 : i1
      %convert_element_type3A_387 = arith.extui %and3A_386 : i1 to i32
      %cond3A_388 = arith.constant 0 : i32
      %cond3A_389 = arith.cmpi ne, %convert_element_type3A_387, %cond3A_388 : i32
      scf.if %cond3A_389 {
        %dma_wait3A_451 = arith.constant 1 : i32
        %dma_wait3A_452 = arith.constant 0 : i32
        %dma_wait3A_453 = arith.constant 0 : i32
        %dma_wait3A_454 = tpu.memref_slice %arg7[%dma_wait3A_451, %dma_wait3A_452, %dma_wait3A_453] : memref<4x200x128xf32, #tpu.memory_space<vmem>> -> memref<1x200x128xf32, #tpu.memory_space<vmem>>
        %dma_wait3A_455 = tpu.memref_squeeze %dma_wait3A_454 : memref<1x200x128xf32, #tpu.memory_space<vmem>> -> memref<200x128xf32, #tpu.memory_space<vmem>>
        %dma_wait3A_456 = arith.constant 0 : i32
        %dma_wait3A_457 = arith.constant 0 : i32
        %dma_wait3A_458 = tpu.memref_slice %arg5[%dma_wait3A_456, %dma_wait3A_457] : memref<819200x128xf32, #tpu.memory_space<hbm>> -> memref<200x128xf32, #tpu.memory_space<hbm>>
        %dma_wait3A_459 = arith.constant 0 : i32
        %dma_wait3A_460 = arith.constant 0 : i32
        %dma_wait3A_461 = tpu.memref_slice %arg5[%dma_wait3A_459, %dma_wait3A_460] : memref<819200x128xf32, #tpu.memory_space<hbm>> -> memref<200x128xf32, #tpu.memory_space<hbm>>
        %dma_wait3A_462 = arith.constant 0 : i32
        %dma_wait3A_463 = arith.constant 0 : i32
        %dma_wait3A_464 = tpu.memref_slice %arg7[%dma_wait3A_451, %dma_wait3A_462, %dma_wait3A_463] : memref<4x200x128xf32, #tpu.memory_space<vmem>> -> memref<1x200x128xf32, #tpu.memory_space<vmem>>
        %dma_wait3A_465 = tpu.memref_squeeze %dma_wait3A_464 : memref<1x200x128xf32, #tpu.memory_space<vmem>> -> memref<200x128xf32, #tpu.memory_space<vmem>>
        tpu.wait_dma2 semaphore(%arg14 : memref<!tpu.dma_semaphore, #tpu.memory_space<semaphore_mem>>) src(%dma_wait3A_465 : memref<200x128xf32, #tpu.memory_space<vmem>>) dst(%dma_wait3A_461 : memref<200x128xf32, #tpu.memory_space<hbm>>)
        %mul3A_466 = arith.constant 200 : i32
        %mul3A_467 = arith.muli %add3A_381, %mul3A_466 : i32
        %add3A_468 = arith.addi %mul3A_2, %mul3A_467 : i32
        %run_scoped3A_469 = arith.constant 1 : i32
        %run_scoped3A_470 = arith.constant 0 : i32
        "tpu.region"() ({
          %run_scoped3A_501 = tpu.sem_alloc : memref<!tpu.dma_semaphore, #tpu.memory_space<semaphore_mem>>
          %dma_start3A_502 = arith.constant 0 : i32
          %dma_start3A_503 = tpu.memref_slice %arg6[%run_scoped3A_469, %run_scoped3A_470, %dma_start3A_502] : memref<4x2x104xi32, #tpu.memory_space<vmem>> -> memref<1x1x104xi32, #tpu.memory_space<vmem>>
          %dma_start3A_504 = tpu.memref_squeeze %dma_start3A_503 : memref<1x1x104xi32, #tpu.memory_space<vmem>> -> memref<104xi32, #tpu.memory_space<vmem>>
          %dma_start3A_505 = tpu.memref_slice %arg2[%add3A_468] : memref<819200xi32, #tpu.memory_space<hbm>> -> memref<104xi32, #tpu.memory_space<hbm>>
          %dma_start3A_506 = arith.constant 0 : i32
          %dma_start3A_507 = tpu.memref_slice %arg6[%run_scoped3A_469, %run_scoped3A_470, %dma_start3A_506] : memref<4x2x104xi32, #tpu.memory_space<vmem>> -> memref<1x1x104xi32, #tpu.memory_space<vmem>>
          %dma_start3A_508 = tpu.memref_squeeze %dma_start3A_507 : memref<1x1x104xi32, #tpu.memory_space<vmem>> -> memref<104xi32, #tpu.memory_space<vmem>>
          %dma_start3A_509 = tpu.memref_slice %arg2[%add3A_468] : memref<819200xi32, #tpu.memory_space<hbm>> -> memref<104xi32, #tpu.memory_space<hbm>>
          tpu.enqueue_dma source(%dma_start3A_509 : memref<104xi32, #tpu.memory_space<hbm>>) target(%dma_start3A_508 : memref<104xi32, #tpu.memory_space<vmem>>) target_semaphore(%run_scoped3A_501 : memref<!tpu.dma_semaphore, #tpu.memory_space<semaphore_mem>>)
          %dma_wait3A_510 = arith.constant 0 : i32
          %dma_wait3A_511 = tpu.memref_slice %arg6[%run_scoped3A_469, %run_scoped3A_470, %dma_wait3A_510] : memref<4x2x104xi32, #tpu.memory_space<vmem>> -> memref<1x1x104xi32, #tpu.memory_space<vmem>>
          %dma_wait3A_512 = tpu.memref_squeeze %dma_wait3A_511 : memref<1x1x104xi32, #tpu.memory_space<vmem>> -> memref<104xi32, #tpu.memory_space<vmem>>
          %dma_wait3A_513 = tpu.memref_slice %arg2[%add3A_468] : memref<819200xi32, #tpu.memory_space<hbm>> -> memref<104xi32, #tpu.memory_space<hbm>>
          %dma_wait3A_514 = arith.constant 0 : i32
          %dma_wait3A_515 = tpu.memref_slice %arg6[%run_scoped3A_469, %run_scoped3A_470, %dma_wait3A_514] : memref<4x2x104xi32, #tpu.memory_space<vmem>> -> memref<1x1x104xi32, #tpu.memory_space<vmem>>
          %dma_wait3A_516 = tpu.memref_squeeze %dma_wait3A_515 : memref<1x1x104xi32, #tpu.memory_space<vmem>> -> memref<104xi32, #tpu.memory_space<vmem>>
          %dma_wait3A_517 = tpu.memref_slice %arg2[%add3A_468] : memref<819200xi32, #tpu.memory_space<hbm>> -> memref<104xi32, #tpu.memory_space<hbm>>
          tpu.wait_dma2 semaphore(%run_scoped3A_501 : memref<!tpu.dma_semaphore, #tpu.memory_space<semaphore_mem>>) src(%dma_wait3A_517 : memref<104xi32, #tpu.memory_space<hbm>>) dst(%dma_wait3A_516 : memref<104xi32, #tpu.memory_space<vmem>>)
          tpu.yield
        }) : () -> ()
        %dma_start3A_471 = arith.constant 1 : i32
        %dma_start3A_472 = arith.constant 0 : i32
        %dma_start3A_473 = arith.constant 1 : i32
        %dma_start3A_474 = arith.constant 0 : i32
        %dma_start3A_475 = arith.constant 0 : i32
        %dma_start3A_476 = tpu.memref_slice %arg7[%dma_start3A_473, %dma_start3A_474, %dma_start3A_475] : memref<4x200x128xf32, #tpu.memory_space<vmem>> -> memref<1x104x128xf32, #tpu.memory_space<vmem>>
        %dma_start3A_477 = tpu.memref_squeeze %dma_start3A_476 : memref<1x104x128xf32, #tpu.memory_space<vmem>> -> memref<104x128xf32, #tpu.memory_space<vmem>>
        %dma_start3A_478 = arith.constant 0 : i32
        %dma_start3A_479 = tpu.memref_slice %arg6[%dma_start3A_471, %dma_start3A_472, %dma_start3A_478] : memref<4x2x104xi32, #tpu.memory_space<vmem>> -> memref<1x1x104xi32, #tpu.memory_space<vmem>>
        %dma_start3A_480 = tpu.memref_squeeze %dma_start3A_479 : memref<1x1x104xi32, #tpu.memory_space<vmem>> -> memref<104xi32, #tpu.memory_space<vmem>>
        %dma_start3A_481 = arith.constant 0 : i32
        %dma_start3A_482 = arith.constant 0 : i32
        %dma_start3A_483 = tpu.memref_slice %arg3[%dma_start3A_481, %dma_start3A_482] : memref<100000x128xf32, #tpu.memory_space<hbm>> -> memref<100000x128xf32, #tpu.memory_space<hbm>>
        tpu.enqueue_indirect_dma source(%dma_start3A_483 : memref<100000x128xf32, #tpu.memory_space<hbm>>) target(%dma_start3A_477 : memref<104x128xf32, #tpu.memory_space<vmem>>) offsets(%dma_start3A_480 : memref<104xi32, #tpu.memory_space<vmem>>) semaphore(%arg10 : memref<!tpu.dma_semaphore, #tpu.memory_space<semaphore_mem>>)
        %add3A_484 = arith.constant 104 : i32
        %add3A_485 = arith.addi %add3A_468, %add3A_484 : i32
        %run_scoped3A_486 = arith.constant 1 : i32
        %run_scoped3A_487 = arith.constant 1 : i32
        "tpu.region"() ({
          %run_scoped3A_501 = tpu.sem_alloc : memref<!tpu.dma_semaphore, #tpu.memory_space<semaphore_mem>>
          %dma_start3A_502 = arith.constant 0 : i32
          %dma_start3A_503 = tpu.memref_slice %arg6[%run_scoped3A_486, %run_scoped3A_487, %dma_start3A_502] : memref<4x2x104xi32, #tpu.memory_space<vmem>> -> memref<1x1x96xi32, #tpu.memory_space<vmem>>
          %dma_start3A_504 = tpu.memref_squeeze %dma_start3A_503 : memref<1x1x96xi32, #tpu.memory_space<vmem>> -> memref<96xi32, #tpu.memory_space<vmem>>
          %dma_start3A_505 = tpu.memref_slice %arg2[%add3A_485] : memref<819200xi32, #tpu.memory_space<hbm>> -> memref<96xi32, #tpu.memory_space<hbm>>
          %dma_start3A_506 = arith.constant 0 : i32
          %dma_start3A_507 = tpu.memref_slice %arg6[%run_scoped3A_486, %run_scoped3A_487, %dma_start3A_506] : memref<4x2x104xi32, #tpu.memory_space<vmem>> -> memref<1x1x96xi32, #tpu.memory_space<vmem>>
          %dma_start3A_508 = tpu.memref_squeeze %dma_start3A_507 : memref<1x1x96xi32, #tpu.memory_space<vmem>> -> memref<96xi32, #tpu.memory_space<vmem>>
          %dma_start3A_509 = tpu.memref_slice %arg2[%add3A_485] : memref<819200xi32, #tpu.memory_space<hbm>> -> memref<96xi32, #tpu.memory_space<hbm>>
          tpu.enqueue_dma source(%dma_start3A_509 : memref<96xi32, #tpu.memory_space<hbm>>) target(%dma_start3A_508 : memref<96xi32, #tpu.memory_space<vmem>>) target_semaphore(%run_scoped3A_501 : memref<!tpu.dma_semaphore, #tpu.memory_space<semaphore_mem>>)
          %dma_wait3A_510 = arith.constant 0 : i32
          %dma_wait3A_511 = tpu.memref_slice %arg6[%run_scoped3A_486, %run_scoped3A_487, %dma_wait3A_510] : memref<4x2x104xi32, #tpu.memory_space<vmem>> -> memref<1x1x96xi32, #tpu.memory_space<vmem>>
          %dma_wait3A_512 = tpu.memref_squeeze %dma_wait3A_511 : memref<1x1x96xi32, #tpu.memory_space<vmem>> -> memref<96xi32, #tpu.memory_space<vmem>>
          %dma_wait3A_513 = tpu.memref_slice %arg2[%add3A_485] : memref<819200xi32, #tpu.memory_space<hbm>> -> memref<96xi32, #tpu.memory_space<hbm>>
          %dma_wait3A_514 = arith.constant 0 : i32
          %dma_wait3A_515 = tpu.memref_slice %arg6[%run_scoped3A_486, %run_scoped3A_487, %dma_wait3A_514] : memref<4x2x104xi32, #tpu.memory_space<vmem>> -> memref<1x1x96xi32, #tpu.memory_space<vmem>>
          %dma_wait3A_516 = tpu.memref_squeeze %dma_wait3A_515 : memref<1x1x96xi32, #tpu.memory_space<vmem>> -> memref<96xi32, #tpu.memory_space<vmem>>
          %dma_wait3A_517 = tpu.memref_slice %arg2[%add3A_485] : memref<819200xi32, #tpu.memory_space<hbm>> -> memref<96xi32, #tpu.memory_space<hbm>>
          tpu.wait_dma2 semaphore(%run_scoped3A_501 : memref<!tpu.dma_semaphore, #tpu.memory_space<semaphore_mem>>) src(%dma_wait3A_517 : memref<96xi32, #tpu.memory_space<hbm>>) dst(%dma_wait3A_516 : memref<96xi32, #tpu.memory_space<vmem>>)
          tpu.yield
        }) : () -> ()
        %dma_start3A_488 = arith.constant 1 : i32
        %dma_start3A_489 = arith.constant 1 : i32
        %dma_start3A_490 = arith.constant 1 : i32
        %dma_start3A_491 = arith.constant 104 : i32
        %dma_start3A_492 = arith.constant 0 : i32
        %dma_start3A_493 = tpu.memref_slice %arg7[%dma_start3A_490, %dma_start3A_491, %dma_start3A_492] : memref<4x200x128xf32, #tpu.memory_space<vmem>> -> memref<1x96x128xf32, #tpu.memory_space<vmem>>
        %dma_start3A_494 = tpu.memref_squeeze %dma_start3A_493 : memref<1x96x128xf32, #tpu.memory_space<vmem>> -> memref<96x128xf32, #tpu.memory_space<vmem>>
        %dma_start3A_495 = arith.constant 0 : i32
        %dma_start3A_496 = tpu.memref_slice %arg6[%dma_start3A_488, %dma_start3A_489, %dma_start3A_495] : memref<4x2x104xi32, #tpu.memory_space<vmem>> -> memref<1x1x96xi32, #tpu.memory_space<vmem>>
        %dma_start3A_497 = tpu.memref_squeeze %dma_start3A_496 : memref<1x1x96xi32, #tpu.memory_space<vmem>> -> memref<96xi32, #tpu.memory_space<vmem>>
        %dma_start3A_498 = arith.constant 0 : i32
        %dma_start3A_499 = arith.constant 0 : i32
        %dma_start3A_500 = tpu.memref_slice %arg3[%dma_start3A_498, %dma_start3A_499] : memref<100000x128xf32, #tpu.memory_space<hbm>> -> memref<100000x128xf32, #tpu.memory_space<hbm>>
        tpu.enqueue_indirect_dma source(%dma_start3A_500 : memref<100000x128xf32, #tpu.memory_space<hbm>>) target(%dma_start3A_494 : memref<96x128xf32, #tpu.memory_space<vmem>>) offsets(%dma_start3A_497 : memref<96xi32, #tpu.memory_space<vmem>>) semaphore(%arg10 : memref<!tpu.dma_semaphore, #tpu.memory_space<semaphore_mem>>)
      } else {
      }
      %add3A_390 = arith.constant 3 : i32
      %add3A_391 = arith.addi %add3A_212, %add3A_390 : i32
      %dma_wait3A_392 = arith.constant 3 : i32
      %dma_wait3A_393 = arith.constant 0 : i32
      %dma_wait3A_394 = arith.constant 3 : i32
      %dma_wait3A_395 = arith.constant 0 : i32
      %dma_wait3A_396 = arith.constant 0 : i32
      %dma_wait3A_397 = tpu.memref_slice %arg7[%dma_wait3A_394, %dma_wait3A_395, %dma_wait3A_396] : memref<4x200x128xf32, #tpu.memory_space<vmem>> -> memref<1x104x128xf32, #tpu.memory_space<vmem>>
      %dma_wait3A_398 = tpu.memref_squeeze %dma_wait3A_397 : memref<1x104x128xf32, #tpu.memory_space<vmem>> -> memref<104x128xf32, #tpu.memory_space<vmem>>
      %dma_wait3A_399 = arith.constant 0 : i32
      %dma_wait3A_400 = tpu.memref_slice %arg6[%dma_wait3A_392, %dma_wait3A_393, %dma_wait3A_399] : memref<4x2x104xi32, #tpu.memory_space<vmem>> -> memref<1x1x104xi32, #tpu.memory_space<vmem>>
      %dma_wait3A_401 = tpu.memref_squeeze %dma_wait3A_400 : memref<1x1x104xi32, #tpu.memory_space<vmem>> -> memref<104xi32, #tpu.memory_space<vmem>>
      %dma_wait3A_402 = arith.constant 0 : i32
      %dma_wait3A_403 = arith.constant 0 : i32
      %dma_wait3A_404 = tpu.memref_slice %arg3[%dma_wait3A_402, %dma_wait3A_403] : memref<100000x128xf32, #tpu.memory_space<hbm>> -> memref<100000x128xf32, #tpu.memory_space<hbm>>
      tpu.wait_indirect_dma semaphore(%arg12 : memref<!tpu.dma_semaphore, #tpu.memory_space<semaphore_mem>>) src(%dma_wait3A_404 : memref<100000x128xf32, #tpu.memory_space<hbm>>) dst(%dma_wait3A_398 : memref<104x128xf32, #tpu.memory_space<vmem>>)
      %dma_wait3A_405 = arith.constant 3 : i32
      %dma_wait3A_406 = arith.constant 1 : i32
      %dma_wait3A_407 = arith.constant 3 : i32
      %dma_wait3A_408 = arith.constant 104 : i32
      %dma_wait3A_409 = arith.constant 0 : i32
      %dma_wait3A_410 = tpu.memref_slice %arg7[%dma_wait3A_407, %dma_wait3A_408, %dma_wait3A_409] : memref<4x200x128xf32, #tpu.memory_space<vmem>> -> memref<1x96x128xf32, #tpu.memory_space<vmem>>
      %dma_wait3A_411 = tpu.memref_squeeze %dma_wait3A_410 : memref<1x96x128xf32, #tpu.memory_space<vmem>> -> memref<96x128xf32, #tpu.memory_space<vmem>>
      %dma_wait3A_412 = arith.constant 0 : i32
      %dma_wait3A_413 = tpu.memref_slice %arg6[%dma_wait3A_405, %dma_wait3A_406, %dma_wait3A_412] : memref<4x2x104xi32, #tpu.memory_space<vmem>> -> memref<1x1x96xi32, #tpu.memory_space<vmem>>
      %dma_wait3A_414 = tpu.memref_squeeze %dma_wait3A_413 : memref<1x1x96xi32, #tpu.memory_space<vmem>> -> memref<96xi32, #tpu.memory_space<vmem>>
      %dma_wait3A_415 = arith.constant 0 : i32
      %dma_wait3A_416 = arith.constant 0 : i32
      %dma_wait3A_417 = tpu.memref_slice %arg3[%dma_wait3A_415, %dma_wait3A_416] : memref<100000x128xf32, #tpu.memory_space<hbm>> -> memref<100000x128xf32, #tpu.memory_space<hbm>>
      tpu.wait_indirect_dma semaphore(%arg12 : memref<!tpu.dma_semaphore, #tpu.memory_space<semaphore_mem>>) src(%dma_wait3A_417 : memref<100000x128xf32, #tpu.memory_space<hbm>>) dst(%dma_wait3A_411 : memref<96x128xf32, #tpu.memory_space<vmem>>)
      %scan3A_418 = arith.constant 0 : i32
      %scan3A_419 = arith.constant 200 : i32
      %scan3A_420 = arith.addi %scan3A_418, %scan3A_419 : i32
      %scan3A_421 = arith.constant 1 : i32
      scf.for %scan3A_451 = %scan3A_418 to %scan3A_420 step %scan3A_421  : i32 {
        %mul3A_452 = arith.constant 1 : i32
        %mul3A_453 = arith.muli %scan3A_451, %mul3A_452 : i32
        %add3A_454 = arith.constant 0 : i32
        %add3A_455 = arith.addi %add3A_454, %mul3A_453 : i32
        %get3A = arith.constant 3 : i32
        %get3A_456 = arith.index_cast %get3A : i32 to index
        %get3A_457 = arith.index_cast %add3A_455 : i32 to index
        %get3A_458 = arith.constant 0 : index
        %get3A_459 = tpu.vector_load %arg7[%get3A_456, %get3A_457, %get3A_458] {strides = array<i32>} : memref<4x200x128xf32, #tpu.memory_space<vmem>>, vector<1x1x16xf32>,
        %get3A_460 = vector.shape_cast %get3A_459 : vector<1x1x16xf32> to vector<16xf32>
        %get3A_461 = arith.index_cast %add3A_455 : i32 to index
        %get3A_462 = arith.constant 0 : index
        %get3A_463 = tpu.vector_load %arg8[%get3A_461, %get3A_462] {strides = array<i32>} : memref<200x128xf32, #tpu.memory_space<vmem>>, vector<1x16xf32>,
        %get3A_464 = vector.shape_cast %get3A_463 : vector<1x16xf32> to vector<16xf32>
        %add3A_465 = arith.addf %get3A_460, %get3A_464 : vector<16xf32>
        %swap3A = arith.constant 3 : i32
        %swap3A_466 = arith.index_cast %swap3A : i32 to index
        %swap3A_467 = arith.index_cast %add3A_455 : i32 to index
        %swap3A_468 = arith.constant 0 : index
        %swap3A_469 = tpu.vector_load %arg7[%swap3A_466, %swap3A_467, %swap3A_468] {strides = array<i32>} : memref<4x200x128xf32, #tpu.memory_space<vmem>>, vector<1x1x16xf32>,
        %swap3A_470 = vector.shape_cast %swap3A_469 : vector<1x1x16xf32> to vector<16xf32>
        %swap3A_471 = vector.shape_cast %add3A_465 : vector<16xf32> to vector<1x1x16xf32>
        tpu.vector_store %arg7[%swap3A_466, %swap3A_467, %swap3A_468], %swap3A_471 {strides = array<i32>} : memref<4x200x128xf32, #tpu.memory_space<vmem>>, vector<1x1x16xf32>,
        %get3A_472 = arith.constant 3 : i32
        %get3A_473 = arith.index_cast %get3A_472 : i32 to index
        %get3A_474 = arith.index_cast %add3A_455 : i32 to index
        %get3A_475 = arith.constant 16 : index
        %get3A_476 = tpu.vector_load %arg7[%get3A_473, %get3A_474, %get3A_475] {strides = array<i32>} : memref<4x200x128xf32, #tpu.memory_space<vmem>>, vector<1x1x16xf32>,
        %get3A_477 = vector.shape_cast %get3A_476 : vector<1x1x16xf32> to vector<16xf32>
        %get3A_478 = arith.index_cast %add3A_455 : i32 to index
        %get3A_479 = arith.constant 16 : index
        %get3A_480 = tpu.vector_load %arg8[%get3A_478, %get3A_479] {strides = array<i32>} : memref<200x128xf32, #tpu.memory_space<vmem>>, vector<1x16xf32>,
        %get3A_481 = vector.shape_cast %get3A_480 : vector<1x16xf32> to vector<16xf32>
        %add3A_482 = arith.addf %get3A_477, %get3A_481 : vector<16xf32>
        %swap3A_483 = arith.constant 3 : i32
        %swap3A_484 = arith.index_cast %swap3A_483 : i32 to index
        %swap3A_485 = arith.index_cast %add3A_455 : i32 to index
        %swap3A_486 = arith.constant 16 : index
        %swap3A_487 = tpu.vector_load %arg7[%swap3A_484, %swap3A_485, %swap3A_486] {strides = array<i32>} : memref<4x200x128xf32, #tpu.memory_space<vmem>>, vector<1x1x16xf32>,
        %swap3A_488 = vector.shape_cast %swap3A_487 : vector<1x1x16xf32> to vector<16xf32>
        %swap3A_489 = vector.shape_cast %add3A_482 : vector<16xf32> to vector<1x1x16xf32>
        tpu.vector_store %arg7[%swap3A_484, %swap3A_485, %swap3A_486], %swap3A_489 {strides = array<i32>} : memref<4x200x128xf32, #tpu.memory_space<vmem>>, vector<1x1x16xf32>,
        %get3A_490 = arith.constant 3 : i32
        %get3A_491 = arith.index_cast %get3A_490 : i32 to index
        %get3A_492 = arith.index_cast %add3A_455 : i32 to index
        %get3A_493 = arith.constant 32 : index
        %get3A_494 = tpu.vector_load %arg7[%get3A_491, %get3A_492, %get3A_493] {strides = array<i32>} : memref<4x200x128xf32, #tpu.memory_space<vmem>>, vector<1x1x16xf32>,
        %get3A_495 = vector.shape_cast %get3A_494 : vector<1x1x16xf32> to vector<16xf32>
        %get3A_496 = arith.index_cast %add3A_455 : i32 to index
        %get3A_497 = arith.constant 32 : index
        %get3A_498 = tpu.vector_load %arg8[%get3A_496, %get3A_497] {strides = array<i32>} : memref<200x128xf32, #tpu.memory_space<vmem>>, vector<1x16xf32>,
        %get3A_499 = vector.shape_cast %get3A_498 : vector<1x16xf32> to vector<16xf32>
        %add3A_500 = arith.addf %get3A_495, %get3A_499 : vector<16xf32>
        %swap3A_501 = arith.constant 3 : i32
        %swap3A_502 = arith.index_cast %swap3A_501 : i32 to index
        %swap3A_503 = arith.index_cast %add3A_455 : i32 to index
        %swap3A_504 = arith.constant 32 : index
        %swap3A_505 = tpu.vector_load %arg7[%swap3A_502, %swap3A_503, %swap3A_504] {strides = array<i32>} : memref<4x200x128xf32, #tpu.memory_space<vmem>>, vector<1x1x16xf32>,
        %swap3A_506 = vector.shape_cast %swap3A_505 : vector<1x1x16xf32> to vector<16xf32>
        %swap3A_507 = vector.shape_cast %add3A_500 : vector<16xf32> to vector<1x1x16xf32>
        tpu.vector_store %arg7[%swap3A_502, %swap3A_503, %swap3A_504], %swap3A_507 {strides = array<i32>} : memref<4x200x128xf32, #tpu.memory_space<vmem>>, vector<1x1x16xf32>,
        %get3A_508 = arith.constant 3 : i32
        %get3A_509 = arith.index_cast %get3A_508 : i32 to index
        %get3A_510 = arith.index_cast %add3A_455 : i32 to index
        %get3A_511 = arith.constant 48 : index
        %get3A_512 = tpu.vector_load %arg7[%get3A_509, %get3A_510, %get3A_511] {strides = array<i32>} : memref<4x200x128xf32, #tpu.memory_space<vmem>>, vector<1x1x16xf32>,
        %get3A_513 = vector.shape_cast %get3A_512 : vector<1x1x16xf32> to vector<16xf32>
        %get3A_514 = arith.index_cast %add3A_455 : i32 to index
        %get3A_515 = arith.constant 48 : index
        %get3A_516 = tpu.vector_load %arg8[%get3A_514, %get3A_515] {strides = array<i32>} : memref<200x128xf32, #tpu.memory_space<vmem>>, vector<1x16xf32>,
        %get3A_517 = vector.shape_cast %get3A_516 : vector<1x16xf32> to vector<16xf32>
        %add3A_518 = arith.addf %get3A_513, %get3A_517 : vector<16xf32>
        %swap3A_519 = arith.constant 3 : i32
        %swap3A_520 = arith.index_cast %swap3A_519 : i32 to index
        %swap3A_521 = arith.index_cast %add3A_455 : i32 to index
        %swap3A_522 = arith.constant 48 : index
        %swap3A_523 = tpu.vector_load %arg7[%swap3A_520, %swap3A_521, %swap3A_522] {strides = array<i32>} : memref<4x200x128xf32, #tpu.memory_space<vmem>>, vector<1x1x16xf32>,
        %swap3A_524 = vector.shape_cast %swap3A_523 : vector<1x1x16xf32> to vector<16xf32>
        %swap3A_525 = vector.shape_cast %add3A_518 : vector<16xf32> to vector<1x1x16xf32>
        tpu.vector_store %arg7[%swap3A_520, %swap3A_521, %swap3A_522], %swap3A_525 {strides = array<i32>} : memref<4x200x128xf32, #tpu.memory_space<vmem>>, vector<1x1x16xf32>,
        %get3A_526 = arith.constant 3 : i32
        %get3A_527 = arith.index_cast %get3A_526 : i32 to index
        %get3A_528 = arith.index_cast %add3A_455 : i32 to index
        %get3A_529 = arith.constant 64 : index
        %get3A_530 = tpu.vector_load %arg7[%get3A_527, %get3A_528, %get3A_529] {strides = array<i32>} : memref<4x200x128xf32, #tpu.memory_space<vmem>>, vector<1x1x16xf32>,
        %get3A_531 = vector.shape_cast %get3A_530 : vector<1x1x16xf32> to vector<16xf32>
        %get3A_532 = arith.index_cast %add3A_455 : i32 to index
        %get3A_533 = arith.constant 64 : index
        %get3A_534 = tpu.vector_load %arg8[%get3A_532, %get3A_533] {strides = array<i32>} : memref<200x128xf32, #tpu.memory_space<vmem>>, vector<1x16xf32>,
        %get3A_535 = vector.shape_cast %get3A_534 : vector<1x16xf32> to vector<16xf32>
        %add3A_536 = arith.addf %get3A_531, %get3A_535 : vector<16xf32>
        %swap3A_537 = arith.constant 3 : i32
        %swap3A_538 = arith.index_cast %swap3A_537 : i32 to index
        %swap3A_539 = arith.index_cast %add3A_455 : i32 to index
        %swap3A_540 = arith.constant 64 : index
        %swap3A_541 = tpu.vector_load %arg7[%swap3A_538, %swap3A_539, %swap3A_540] {strides = array<i32>} : memref<4x200x128xf32, #tpu.memory_space<vmem>>, vector<1x1x16xf32>,
        %swap3A_542 = vector.shape_cast %swap3A_541 : vector<1x1x16xf32> to vector<16xf32>
        %swap3A_543 = vector.shape_cast %add3A_536 : vector<16xf32> to vector<1x1x16xf32>
        tpu.vector_store %arg7[%swap3A_538, %swap3A_539, %swap3A_540], %swap3A_543 {strides = array<i32>} : memref<4x200x128xf32, #tpu.memory_space<vmem>>, vector<1x1x16xf32>,
        %get3A_544 = arith.constant 3 : i32
        %get3A_545 = arith.index_cast %get3A_544 : i32 to index
        %get3A_546 = arith.index_cast %add3A_455 : i32 to index
        %get3A_547 = arith.constant 80 : index
        %get3A_548 = tpu.vector_load %arg7[%get3A_545, %get3A_546, %get3A_547] {strides = array<i32>} : memref<4x200x128xf32, #tpu.memory_space<vmem>>, vector<1x1x16xf32>,
        %get3A_549 = vector.shape_cast %get3A_548 : vector<1x1x16xf32> to vector<16xf32>
        %get3A_550 = arith.index_cast %add3A_455 : i32 to index
        %get3A_551 = arith.constant 80 : index
        %get3A_552 = tpu.vector_load %arg8[%get3A_550, %get3A_551] {strides = array<i32>} : memref<200x128xf32, #tpu.memory_space<vmem>>, vector<1x16xf32>,
        %get3A_553 = vector.shape_cast %get3A_552 : vector<1x16xf32> to vector<16xf32>
        %add3A_554 = arith.addf %get3A_549, %get3A_553 : vector<16xf32>
        %swap3A_555 = arith.constant 3 : i32
        %swap3A_556 = arith.index_cast %swap3A_555 : i32 to index
        %swap3A_557 = arith.index_cast %add3A_455 : i32 to index
        %swap3A_558 = arith.constant 80 : index
        %swap3A_559 = tpu.vector_load %arg7[%swap3A_556, %swap3A_557, %swap3A_558] {strides = array<i32>} : memref<4x200x128xf32, #tpu.memory_space<vmem>>, vector<1x1x16xf32>,
        %swap3A_560 = vector.shape_cast %swap3A_559 : vector<1x1x16xf32> to vector<16xf32>
        %swap3A_561 = vector.shape_cast %add3A_554 : vector<16xf32> to vector<1x1x16xf32>
        tpu.vector_store %arg7[%swap3A_556, %swap3A_557, %swap3A_558], %swap3A_561 {strides = array<i32>} : memref<4x200x128xf32, #tpu.memory_space<vmem>>, vector<1x1x16xf32>,
        %get3A_562 = arith.constant 3 : i32
        %get3A_563 = arith.index_cast %get3A_562 : i32 to index
        %get3A_564 = arith.index_cast %add3A_455 : i32 to index
        %get3A_565 = arith.constant 96 : index
        %get3A_566 = tpu.vector_load %arg7[%get3A_563, %get3A_564, %get3A_565] {strides = array<i32>} : memref<4x200x128xf32, #tpu.memory_space<vmem>>, vector<1x1x16xf32>,
        %get3A_567 = vector.shape_cast %get3A_566 : vector<1x1x16xf32> to vector<16xf32>
        %get3A_568 = arith.index_cast %add3A_455 : i32 to index
        %get3A_569 = arith.constant 96 : index
        %get3A_570 = tpu.vector_load %arg8[%get3A_568, %get3A_569] {strides = array<i32>} : memref<200x128xf32, #tpu.memory_space<vmem>>, vector<1x16xf32>,
        %get3A_571 = vector.shape_cast %get3A_570 : vector<1x16xf32> to vector<16xf32>
        %add3A_572 = arith.addf %get3A_567, %get3A_571 : vector<16xf32>
        %swap3A_573 = arith.constant 3 : i32
        %swap3A_574 = arith.index_cast %swap3A_573 : i32 to index
        %swap3A_575 = arith.index_cast %add3A_455 : i32 to index
        %swap3A_576 = arith.constant 96 : index
        %swap3A_577 = tpu.vector_load %arg7[%swap3A_574, %swap3A_575, %swap3A_576] {strides = array<i32>} : memref<4x200x128xf32, #tpu.memory_space<vmem>>, vector<1x1x16xf32>,
        %swap3A_578 = vector.shape_cast %swap3A_577 : vector<1x1x16xf32> to vector<16xf32>
        %swap3A_579 = vector.shape_cast %add3A_572 : vector<16xf32> to vector<1x1x16xf32>
        tpu.vector_store %arg7[%swap3A_574, %swap3A_575, %swap3A_576], %swap3A_579 {strides = array<i32>} : memref<4x200x128xf32, #tpu.memory_space<vmem>>, vector<1x1x16xf32>,
        %get3A_580 = arith.constant 3 : i32
        %get3A_581 = arith.index_cast %get3A_580 : i32 to index
        %get3A_582 = arith.index_cast %add3A_455 : i32 to index
        %get3A_583 = arith.constant 112 : index
        %get3A_584 = tpu.vector_load %arg7[%get3A_581, %get3A_582, %get3A_583] {strides = array<i32>} : memref<4x200x128xf32, #tpu.memory_space<vmem>>, vector<1x1x16xf32>,
        %get3A_585 = vector.shape_cast %get3A_584 : vector<1x1x16xf32> to vector<16xf32>
        %get3A_586 = arith.index_cast %add3A_455 : i32 to index
        %get3A_587 = arith.constant 112 : index
        %get3A_588 = tpu.vector_load %arg8[%get3A_586, %get3A_587] {strides = array<i32>} : memref<200x128xf32, #tpu.memory_space<vmem>>, vector<1x16xf32>,
        %get3A_589 = vector.shape_cast %get3A_588 : vector<1x16xf32> to vector<16xf32>
        %add3A_590 = arith.addf %get3A_585, %get3A_589 : vector<16xf32>
        %swap3A_591 = arith.constant 3 : i32
        %swap3A_592 = arith.index_cast %swap3A_591 : i32 to index
        %swap3A_593 = arith.index_cast %add3A_455 : i32 to index
        %swap3A_594 = arith.constant 112 : index
        %swap3A_595 = tpu.vector_load %arg7[%swap3A_592, %swap3A_593, %swap3A_594] {strides = array<i32>} : memref<4x200x128xf32, #tpu.memory_space<vmem>>, vector<1x1x16xf32>,
        %swap3A_596 = vector.shape_cast %swap3A_595 : vector<1x1x16xf32> to vector<16xf32>
        %swap3A_597 = vector.shape_cast %add3A_590 : vector<16xf32> to vector<1x1x16xf32>
        tpu.vector_store %arg7[%swap3A_592, %swap3A_593, %swap3A_594], %swap3A_597 {strides = array<i32>} : memref<4x200x128xf32, #tpu.memory_space<vmem>>, vector<1x1x16xf32>,
      }
      %scan3A_422 = arith.constant 200 : i32
      %mul3A_423 = arith.constant 200 : i32
      %mul3A_424 = arith.muli %add3A_391, %mul3A_423 : i32
      %add3A_425 = arith.addi %mul3A_2, %mul3A_424 : i32
      %dma_start3A_426 = arith.constant 3 : i32
      %dma_start3A_427 = arith.constant 0 : i32
      %dma_start3A_428 = arith.constant 0 : i32
      %dma_start3A_429 = tpu.memref_slice %arg7[%dma_start3A_426, %dma_start3A_427, %dma_start3A_428] : memref<4x200x128xf32, #tpu.memory_space<vmem>> -> memref<1x200x128xf32, #tpu.memory_space<vmem>>
      %dma_start3A_430 = tpu.memref_squeeze %dma_start3A_429 : memref<1x200x128xf32, #tpu.memory_space<vmem>> -> memref<200x128xf32, #tpu.memory_space<vmem>>
      %dma_start3A_431 = arith.constant 0 : i32
      %dma_start3A_432 = tpu.memref_slice %arg5[%add3A_425, %dma_start3A_431] : memref<819200x128xf32, #tpu.memory_space<hbm>> -> memref<200x128xf32, #tpu.memory_space<hbm>>
      %dma_start3A_433 = arith.constant 0 : i32
      %dma_start3A_434 = tpu.memref_slice %arg5[%add3A_425, %dma_start3A_433] : memref<819200x128xf32, #tpu.memory_space<hbm>> -> memref<200x128xf32, #tpu.memory_space<hbm>>
      %dma_start3A_435 = arith.constant 0 : i32
      %dma_start3A_436 = arith.constant 0 : i32
      %dma_start3A_437 = tpu.memref_slice %arg7[%dma_start3A_426, %dma_start3A_435, %dma_start3A_436] : memref<4x200x128xf32, #tpu.memory_space<vmem>> -> memref<1x200x128xf32, #tpu.memory_space<vmem>>
      %dma_start3A_438 = tpu.memref_squeeze %dma_start3A_437 : memref<1x200x128xf32, #tpu.memory_space<vmem>> -> memref<200x128xf32, #tpu.memory_space<vmem>>
      tpu.enqueue_dma source(%dma_start3A_438 : memref<200x128xf32, #tpu.memory_space<vmem>>) target(%dma_start3A_434 : memref<200x128xf32, #tpu.memory_space<hbm>>) target_semaphore(%arg16 : memref<!tpu.dma_semaphore, #tpu.memory_space<semaphore_mem>>)
      %sub3A_439 = arith.constant 1 : i32
      %sub3A_440 = arith.subi %add3A_391, %sub3A_439 : i32
      %add3A_441 = arith.constant 4 : i32
      %add3A_442 = arith.addi %sub3A_440, %add3A_441 : i32
      %ge3A_443 = arith.constant 1 : i32
      %ge3A_444 = arith.cmpi sge, %add3A_391, %ge3A_443 : i32
      %lt3A_445 = arith.constant 128 : i32
      %lt3A_446 = arith.cmpi slt, %add3A_442, %lt3A_445 : i32
      %and3A_447 = arith.andi %ge3A_444, %lt3A_446 : i1
      %convert_element_type3A_448 = arith.extui %and3A_447 : i1 to i32
      %cond3A_449 = arith.constant 0 : i32
      %cond3A_450 = arith.cmpi ne, %convert_element_type3A_448, %cond3A_449 : i32
      scf.if %cond3A_450 {
        %dma_wait3A_451 = arith.constant 2 : i32
        %dma_wait3A_452 = arith.constant 0 : i32
        %dma_wait3A_453 = arith.constant 0 : i32
        %dma_wait3A_454 = tpu.memref_slice %arg7[%dma_wait3A_451, %dma_wait3A_452, %dma_wait3A_453] : memref<4x200x128xf32, #tpu.memory_space<vmem>> -> memref<1x200x128xf32, #tpu.memory_space<vmem>>
        %dma_wait3A_455 = tpu.memref_squeeze %dma_wait3A_454 : memref<1x200x128xf32, #tpu.memory_space<vmem>> -> memref<200x128xf32, #tpu.memory_space<vmem>>
        %dma_wait3A_456 = arith.constant 0 : i32
        %dma_wait3A_457 = arith.constant 0 : i32
        %dma_wait3A_458 = tpu.memref_slice %arg5[%dma_wait3A_456, %dma_wait3A_457] : memref<819200x128xf32, #tpu.memory_space<hbm>> -> memref<200x128xf32, #tpu.memory_space<hbm>>
        %dma_wait3A_459 = arith.constant 0 : i32
        %dma_wait3A_460 = arith.constant 0 : i32
        %dma_wait3A_461 = tpu.memref_slice %arg5[%dma_wait3A_459, %dma_wait3A_460] : memref<819200x128xf32, #tpu.memory_space<hbm>> -> memref<200x128xf32, #tpu.memory_space<hbm>>
        %dma_wait3A_462 = arith.constant 0 : i32
        %dma_wait3A_463 = arith.constant 0 : i32
        %dma_wait3A_464 = tpu.memref_slice %arg7[%dma_wait3A_451, %dma_wait3A_462, %dma_wait3A_463] : memref<4x200x128xf32, #tpu.memory_space<vmem>> -> memref<1x200x128xf32, #tpu.memory_space<vmem>>
        %dma_wait3A_465 = tpu.memref_squeeze %dma_wait3A_464 : memref<1x200x128xf32, #tpu.memory_space<vmem>> -> memref<200x128xf32, #tpu.memory_space<vmem>>
        tpu.wait_dma2 semaphore(%arg15 : memref<!tpu.dma_semaphore, #tpu.memory_space<semaphore_mem>>) src(%dma_wait3A_465 : memref<200x128xf32, #tpu.memory_space<vmem>>) dst(%dma_wait3A_461 : memref<200x128xf32, #tpu.memory_space<hbm>>)
        %mul3A_466 = arith.constant 200 : i32
        %mul3A_467 = arith.muli %add3A_442, %mul3A_466 : i32
        %add3A_468 = arith.addi %mul3A_2, %mul3A_467 : i32
        %run_scoped3A_469 = arith.constant 2 : i32
        %run_scoped3A_470 = arith.constant 0 : i32
        "tpu.region"() ({
          %run_scoped3A_501 = tpu.sem_alloc : memref<!tpu.dma_semaphore, #tpu.memory_space<semaphore_mem>>
          %dma_start3A_502 = arith.constant 0 : i32
          %dma_start3A_503 = tpu.memref_slice %arg6[%run_scoped3A_469, %run_scoped3A_470, %dma_start3A_502] : memref<4x2x104xi32, #tpu.memory_space<vmem>> -> memref<1x1x104xi32, #tpu.memory_space<vmem>>
          %dma_start3A_504 = tpu.memref_squeeze %dma_start3A_503 : memref<1x1x104xi32, #tpu.memory_space<vmem>> -> memref<104xi32, #tpu.memory_space<vmem>>
          %dma_start3A_505 = tpu.memref_slice %arg2[%add3A_468] : memref<819200xi32, #tpu.memory_space<hbm>> -> memref<104xi32, #tpu.memory_space<hbm>>
          %dma_start3A_506 = arith.constant 0 : i32
          %dma_start3A_507 = tpu.memref_slice %arg6[%run_scoped3A_469, %run_scoped3A_470, %dma_start3A_506] : memref<4x2x104xi32, #tpu.memory_space<vmem>> -> memref<1x1x104xi32, #tpu.memory_space<vmem>>
          %dma_start3A_508 = tpu.memref_squeeze %dma_start3A_507 : memref<1x1x104xi32, #tpu.memory_space<vmem>> -> memref<104xi32, #tpu.memory_space<vmem>>
          %dma_start3A_509 = tpu.memref_slice %arg2[%add3A_468] : memref<819200xi32, #tpu.memory_space<hbm>> -> memref<104xi32, #tpu.memory_space<hbm>>
          tpu.enqueue_dma source(%dma_start3A_509 : memref<104xi32, #tpu.memory_space<hbm>>) target(%dma_start3A_508 : memref<104xi32, #tpu.memory_space<vmem>>) target_semaphore(%run_scoped3A_501 : memref<!tpu.dma_semaphore, #tpu.memory_space<semaphore_mem>>)
          %dma_wait3A_510 = arith.constant 0 : i32
          %dma_wait3A_511 = tpu.memref_slice %arg6[%run_scoped3A_469, %run_scoped3A_470, %dma_wait3A_510] : memref<4x2x104xi32, #tpu.memory_space<vmem>> -> memref<1x1x104xi32, #tpu.memory_space<vmem>>
          %dma_wait3A_512 = tpu.memref_squeeze %dma_wait3A_511 : memref<1x1x104xi32, #tpu.memory_space<vmem>> -> memref<104xi32, #tpu.memory_space<vmem>>
          %dma_wait3A_513 = tpu.memref_slice %arg2[%add3A_468] : memref<819200xi32, #tpu.memory_space<hbm>> -> memref<104xi32, #tpu.memory_space<hbm>>
          %dma_wait3A_514 = arith.constant 0 : i32
          %dma_wait3A_515 = tpu.memref_slice %arg6[%run_scoped3A_469, %run_scoped3A_470, %dma_wait3A_514] : memref<4x2x104xi32, #tpu.memory_space<vmem>> -> memref<1x1x104xi32, #tpu.memory_space<vmem>>
          %dma_wait3A_516 = tpu.memref_squeeze %dma_wait3A_515 : memref<1x1x104xi32, #tpu.memory_space<vmem>> -> memref<104xi32, #tpu.memory_space<vmem>>
          %dma_wait3A_517 = tpu.memref_slice %arg2[%add3A_468] : memref<819200xi32, #tpu.memory_space<hbm>> -> memref<104xi32, #tpu.memory_space<hbm>>
          tpu.wait_dma2 semaphore(%run_scoped3A_501 : memref<!tpu.dma_semaphore, #tpu.memory_space<semaphore_mem>>) src(%dma_wait3A_517 : memref<104xi32, #tpu.memory_space<hbm>>) dst(%dma_wait3A_516 : memref<104xi32, #tpu.memory_space<vmem>>)
          tpu.yield
        }) : () -> ()
        %dma_start3A_471 = arith.constant 2 : i32
        %dma_start3A_472 = arith.constant 0 : i32
        %dma_start3A_473 = arith.constant 2 : i32
        %dma_start3A_474 = arith.constant 0 : i32
        %dma_start3A_475 = arith.constant 0 : i32
        %dma_start3A_476 = tpu.memref_slice %arg7[%dma_start3A_473, %dma_start3A_474, %dma_start3A_475] : memref<4x200x128xf32, #tpu.memory_space<vmem>> -> memref<1x104x128xf32, #tpu.memory_space<vmem>>
        %dma_start3A_477 = tpu.memref_squeeze %dma_start3A_476 : memref<1x104x128xf32, #tpu.memory_space<vmem>> -> memref<104x128xf32, #tpu.memory_space<vmem>>
        %dma_start3A_478 = arith.constant 0 : i32
        %dma_start3A_479 = tpu.memref_slice %arg6[%dma_start3A_471, %dma_start3A_472, %dma_start3A_478] : memref<4x2x104xi32, #tpu.memory_space<vmem>> -> memref<1x1x104xi32, #tpu.memory_space<vmem>>
        %dma_start3A_480 = tpu.memref_squeeze %dma_start3A_479 : memref<1x1x104xi32, #tpu.memory_space<vmem>> -> memref<104xi32, #tpu.memory_space<vmem>>
        %dma_start3A_481 = arith.constant 0 : i32
        %dma_start3A_482 = arith.constant 0 : i32
        %dma_start3A_483 = tpu.memref_slice %arg3[%dma_start3A_481, %dma_start3A_482] : memref<100000x128xf32, #tpu.memory_space<hbm>> -> memref<100000x128xf32, #tpu.memory_space<hbm>>
        tpu.enqueue_indirect_dma source(%dma_start3A_483 : memref<100000x128xf32, #tpu.memory_space<hbm>>) target(%dma_start3A_477 : memref<104x128xf32, #tpu.memory_space<vmem>>) offsets(%dma_start3A_480 : memref<104xi32, #tpu.memory_space<vmem>>) semaphore(%arg11 : memref<!tpu.dma_semaphore, #tpu.memory_space<semaphore_mem>>)
        %add3A_484 = arith.constant 104 : i32
        %add3A_485 = arith.addi %add3A_468, %add3A_484 : i32
        %run_scoped3A_486 = arith.constant 2 : i32
        %run_scoped3A_487 = arith.constant 1 : i32
        "tpu.region"() ({
          %run_scoped3A_501 = tpu.sem_alloc : memref<!tpu.dma_semaphore, #tpu.memory_space<semaphore_mem>>
          %dma_start3A_502 = arith.constant 0 : i32
          %dma_start3A_503 = tpu.memref_slice %arg6[%run_scoped3A_486, %run_scoped3A_487, %dma_start3A_502] : memref<4x2x104xi32, #tpu.memory_space<vmem>> -> memref<1x1x96xi32, #tpu.memory_space<vmem>>
          %dma_start3A_504 = tpu.memref_squeeze %dma_start3A_503 : memref<1x1x96xi32, #tpu.memory_space<vmem>> -> memref<96xi32, #tpu.memory_space<vmem>>
          %dma_start3A_505 = tpu.memref_slice %arg2[%add3A_485] : memref<819200xi32, #tpu.memory_space<hbm>> -> memref<96xi32, #tpu.memory_space<hbm>>
          %dma_start3A_506 = arith.constant 0 : i32
          %dma_start3A_507 = tpu.memref_slice %arg6[%run_scoped3A_486, %run_scoped3A_487, %dma_start3A_506] : memref<4x2x104xi32, #tpu.memory_space<vmem>> -> memref<1x1x96xi32, #tpu.memory_space<vmem>>
          %dma_start3A_508 = tpu.memref_squeeze %dma_start3A_507 : memref<1x1x96xi32, #tpu.memory_space<vmem>> -> memref<96xi32, #tpu.memory_space<vmem>>
          %dma_start3A_509 = tpu.memref_slice %arg2[%add3A_485] : memref<819200xi32, #tpu.memory_space<hbm>> -> memref<96xi32, #tpu.memory_space<hbm>>
          tpu.enqueue_dma source(%dma_start3A_509 : memref<96xi32, #tpu.memory_space<hbm>>) target(%dma_start3A_508 : memref<96xi32, #tpu.memory_space<vmem>>) target_semaphore(%run_scoped3A_501 : memref<!tpu.dma_semaphore, #tpu.memory_space<semaphore_mem>>)
          %dma_wait3A_510 = arith.constant 0 : i32
          %dma_wait3A_511 = tpu.memref_slice %arg6[%run_scoped3A_486, %run_scoped3A_487, %dma_wait3A_510] : memref<4x2x104xi32, #tpu.memory_space<vmem>> -> memref<1x1x96xi32, #tpu.memory_space<vmem>>
          %dma_wait3A_512 = tpu.memref_squeeze %dma_wait3A_511 : memref<1x1x96xi32, #tpu.memory_space<vmem>> -> memref<96xi32, #tpu.memory_space<vmem>>
          %dma_wait3A_513 = tpu.memref_slice %arg2[%add3A_485] : memref<819200xi32, #tpu.memory_space<hbm>> -> memref<96xi32, #tpu.memory_space<hbm>>
          %dma_wait3A_514 = arith.constant 0 : i32
          %dma_wait3A_515 = tpu.memref_slice %arg6[%run_scoped3A_486, %run_scoped3A_487, %dma_wait3A_514] : memref<4x2x104xi32, #tpu.memory_space<vmem>> -> memref<1x1x96xi32, #tpu.memory_space<vmem>>
          %dma_wait3A_516 = tpu.memref_squeeze %dma_wait3A_515 : memref<1x1x96xi32, #tpu.memory_space<vmem>> -> memref<96xi32, #tpu.memory_space<vmem>>
          %dma_wait3A_517 = tpu.memref_slice %arg2[%add3A_485] : memref<819200xi32, #tpu.memory_space<hbm>> -> memref<96xi32, #tpu.memory_space<hbm>>
          tpu.wait_dma2 semaphore(%run_scoped3A_501 : memref<!tpu.dma_semaphore, #tpu.memory_space<semaphore_mem>>) src(%dma_wait3A_517 : memref<96xi32, #tpu.memory_space<hbm>>) dst(%dma_wait3A_516 : memref<96xi32, #tpu.memory_space<vmem>>)
          tpu.yield
        }) : () -> ()
        %dma_start3A_488 = arith.constant 2 : i32
        %dma_start3A_489 = arith.constant 1 : i32
        %dma_start3A_490 = arith.constant 2 : i32
        %dma_start3A_491 = arith.constant 104 : i32
        %dma_start3A_492 = arith.constant 0 : i32
        %dma_start3A_493 = tpu.memref_slice %arg7[%dma_start3A_490, %dma_start3A_491, %dma_start3A_492] : memref<4x200x128xf32, #tpu.memory_space<vmem>> -> memref<1x96x128xf32, #tpu.memory_space<vmem>>
        %dma_start3A_494 = tpu.memref_squeeze %dma_start3A_493 : memref<1x96x128xf32, #tpu.memory_space<vmem>> -> memref<96x128xf32, #tpu.memory_space<vmem>>
        %dma_start3A_495 = arith.constant 0 : i32
        %dma_start3A_496 = tpu.memref_slice %arg6[%dma_start3A_488, %dma_start3A_489, %dma_start3A_495] : memref<4x2x104xi32, #tpu.memory_space<vmem>> -> memref<1x1x96xi32, #tpu.memory_space<vmem>>
        %dma_start3A_497 = tpu.memref_squeeze %dma_start3A_496 : memref<1x1x96xi32, #tpu.memory_space<vmem>> -> memref<96xi32, #tpu.memory_space<vmem>>
        %dma_start3A_498 = arith.constant 0 : i32
        %dma_start3A_499 = arith.constant 0 : i32
        %dma_start3A_500 = tpu.memref_slice %arg3[%dma_start3A_498, %dma_start3A_499] : memref<100000x128xf32, #tpu.memory_space<hbm>> -> memref<100000x128xf32, #tpu.memory_space<hbm>>
        tpu.enqueue_indirect_dma source(%dma_start3A_500 : memref<100000x128xf32, #tpu.memory_space<hbm>>) target(%dma_start3A_494 : memref<96x128xf32, #tpu.memory_space<vmem>>) offsets(%dma_start3A_497 : memref<96xi32, #tpu.memory_space<vmem>>) semaphore(%arg11 : memref<!tpu.dma_semaphore, #tpu.memory_space<semaphore_mem>>)
      } else {
      }
    }
    %scan3A_148 = arith.constant 32 : i32
    %dma_wait3A = arith.constant 0 : i32
    %dma_wait3A_149 = arith.constant 0 : i32
    %dma_wait3A_150 = arith.constant 0 : i32
    %dma_wait3A_151 = tpu.memref_slice %arg7[%dma_wait3A, %dma_wait3A_149, %dma_wait3A_150] : memref<4x200x128xf32, #tpu.memory_space<vmem>> -> memref<1x200x128xf32, #tpu.memory_space<vmem>>
    %dma_wait3A_152 = tpu.memref_squeeze %dma_wait3A_151 : memref<1x200x128xf32, #tpu.memory_space<vmem>> -> memref<200x128xf32, #tpu.memory_space<vmem>>
    %dma_wait3A_153 = arith.constant 0 : i32
    %dma_wait3A_154 = arith.constant 0 : i32
    %dma_wait3A_155 = tpu.memref_slice %arg5[%dma_wait3A_153, %dma_wait3A_154] : memref<819200x128xf32, #tpu.memory_space<hbm>> -> memref<200x128xf32, #tpu.memory_space<hbm>>
    %dma_wait3A_156 = arith.constant 0 : i32
    %dma_wait3A_157 = arith.constant 0 : i32
    %dma_wait3A_158 = tpu.memref_slice %arg5[%dma_wait3A_156, %dma_wait3A_157] : memref<819200x128xf32, #tpu.memory_space<hbm>> -> memref<200x128xf32, #tpu.memory_space<hbm>>
    %dma_wait3A_159 = arith.constant 0 : i32
    %dma_wait3A_160 = arith.constant 0 : i32
    %dma_wait3A_161 = tpu.memref_slice %arg7[%dma_wait3A, %dma_wait3A_159, %dma_wait3A_160] : memref<4x200x128xf32, #tpu.memory_space<vmem>> -> memref<1x200x128xf32, #tpu.memory_space<vmem>>
    %dma_wait3A_162 = tpu.memref_squeeze %dma_wait3A_161 : memref<1x200x128xf32, #tpu.memory_space<vmem>> -> memref<200x128xf32, #tpu.memory_space<vmem>>
    tpu.wait_dma2 semaphore(%arg13 : memref<!tpu.dma_semaphore, #tpu.memory_space<semaphore_mem>>) src(%dma_wait3A_162 : memref<200x128xf32, #tpu.memory_space<vmem>>) dst(%dma_wait3A_158 : memref<200x128xf32, #tpu.memory_space<hbm>>)
    %dma_wait3A_163 = arith.constant 1 : i32
    %dma_wait3A_164 = arith.constant 0 : i32
    %dma_wait3A_165 = arith.constant 0 : i32
    %dma_wait3A_166 = tpu.memref_slice %arg7[%dma_wait3A_163, %dma_wait3A_164, %dma_wait3A_165] : memref<4x200x128xf32, #tpu.memory_space<vmem>> -> memref<1x200x128xf32, #tpu.memory_space<vmem>>
    %dma_wait3A_167 = tpu.memref_squeeze %dma_wait3A_166 : memref<1x200x128xf32, #tpu.memory_space<vmem>> -> memref<200x128xf32, #tpu.memory_space<vmem>>
    %dma_wait3A_168 = arith.constant 0 : i32
    %dma_wait3A_169 = arith.constant 0 : i32
    %dma_wait3A_170 = tpu.memref_slice %arg5[%dma_wait3A_168, %dma_wait3A_169] : memref<819200x128xf32, #tpu.memory_space<hbm>> -> memref<200x128xf32, #tpu.memory_space<hbm>>
    %dma_wait3A_171 = arith.constant 0 : i32
    %dma_wait3A_172 = arith.constant 0 : i32
    %dma_wait3A_173 = tpu.memref_slice %arg5[%dma_wait3A_171, %dma_wait3A_172] : memref<819200x128xf32, #tpu.memory_space<hbm>> -> memref<200x128xf32, #tpu.memory_space<hbm>>
    %dma_wait3A_174 = arith.constant 0 : i32
    %dma_wait3A_175 = arith.constant 0 : i32
    %dma_wait3A_176 = tpu.memref_slice %arg7[%dma_wait3A_163, %dma_wait3A_174, %dma_wait3A_175] : memref<4x200x128xf32, #tpu.memory_space<vmem>> -> memref<1x200x128xf32, #tpu.memory_space<vmem>>
    %dma_wait3A_177 = tpu.memref_squeeze %dma_wait3A_176 : memref<1x200x128xf32, #tpu.memory_space<vmem>> -> memref<200x128xf32, #tpu.memory_space<vmem>>
    tpu.wait_dma2 semaphore(%arg14 : memref<!tpu.dma_semaphore, #tpu.memory_space<semaphore_mem>>) src(%dma_wait3A_177 : memref<200x128xf32, #tpu.memory_space<vmem>>) dst(%dma_wait3A_173 : memref<200x128xf32, #tpu.memory_space<hbm>>)
    %dma_wait3A_178 = arith.constant 2 : i32
    %dma_wait3A_179 = arith.constant 0 : i32
    %dma_wait3A_180 = arith.constant 0 : i32
    %dma_wait3A_181 = tpu.memref_slice %arg7[%dma_wait3A_178, %dma_wait3A_179, %dma_wait3A_180] : memref<4x200x128xf32, #tpu.memory_space<vmem>> -> memref<1x200x128xf32, #tpu.memory_space<vmem>>
    %dma_wait3A_182 = tpu.memref_squeeze %dma_wait3A_181 : memref<1x200x128xf32, #tpu.memory_space<vmem>> -> memref<200x128xf32, #tpu.memory_space<vmem>>
    %dma_wait3A_183 = arith.constant 0 : i32
    %dma_wait3A_184 = arith.constant 0 : i32
    %dma_wait3A_185 = tpu.memref_slice %arg5[%dma_wait3A_183, %dma_wait3A_184] : memref<819200x128xf32, #tpu.memory_space<hbm>> -> memref<200x128xf32, #tpu.memory_space<hbm>>
    %dma_wait3A_186 = arith.constant 0 : i32
    %dma_wait3A_187 = arith.constant 0 : i32
    %dma_wait3A_188 = tpu.memref_slice %arg5[%dma_wait3A_186, %dma_wait3A_187] : memref<819200x128xf32, #tpu.memory_space<hbm>> -> memref<200x128xf32, #tpu.memory_space<hbm>>
    %dma_wait3A_189 = arith.constant 0 : i32
    %dma_wait3A_190 = arith.constant 0 : i32
    %dma_wait3A_191 = tpu.memref_slice %arg7[%dma_wait3A_178, %dma_wait3A_189, %dma_wait3A_190] : memref<4x200x128xf32, #tpu.memory_space<vmem>> -> memref<1x200x128xf32, #tpu.memory_space<vmem>>
    %dma_wait3A_192 = tpu.memref_squeeze %dma_wait3A_191 : memref<1x200x128xf32, #tpu.memory_space<vmem>> -> memref<200x128xf32, #tpu.memory_space<vmem>>
    tpu.wait_dma2 semaphore(%arg15 : memref<!tpu.dma_semaphore, #tpu.memory_space<semaphore_mem>>) src(%dma_wait3A_192 : memref<200x128xf32, #tpu.memory_space<vmem>>) dst(%dma_wait3A_188 : memref<200x128xf32, #tpu.memory_space<hbm>>)
    %dma_wait3A_193 = arith.constant 3 : i32
    %dma_wait3A_194 = arith.constant 0 : i32
    %dma_wait3A_195 = arith.constant 0 : i32
    %dma_wait3A_196 = tpu.memref_slice %arg7[%dma_wait3A_193, %dma_wait3A_194, %dma_wait3A_195] : memref<4x200x128xf32, #tpu.memory_space<vmem>> -> memref<1x200x128xf32, #tpu.memory_space<vmem>>
    %dma_wait3A_197 = tpu.memref_squeeze %dma_wait3A_196 : memref<1x200x128xf32, #tpu.memory_space<vmem>> -> memref<200x128xf32, #tpu.memory_space<vmem>>
    %dma_wait3A_198 = arith.constant 0 : i32
    %dma_wait3A_199 = arith.constant 0 : i32
    %dma_wait3A_200 = tpu.memref_slice %arg5[%dma_wait3A_198, %dma_wait3A_199] : memref<819200x128xf32, #tpu.memory_space<hbm>> -> memref<200x128xf32, #tpu.memory_space<hbm>>
    %dma_wait3A_201 = arith.constant 0 : i32
    %dma_wait3A_202 = arith.constant 0 : i32
    %dma_wait3A_203 = tpu.memref_slice %arg5[%dma_wait3A_201, %dma_wait3A_202] : memref<819200x128xf32, #tpu.memory_space<hbm>> -> memref<200x128xf32, #tpu.memory_space<hbm>>
    %dma_wait3A_204 = arith.constant 0 : i32
    %dma_wait3A_205 = arith.constant 0 : i32
    %dma_wait3A_206 = tpu.memref_slice %arg7[%dma_wait3A_193, %dma_wait3A_204, %dma_wait3A_205] : memref<4x200x128xf32, #tpu.memory_space<vmem>> -> memref<1x200x128xf32, #tpu.memory_space<vmem>>
    %dma_wait3A_207 = tpu.memref_squeeze %dma_wait3A_206 : memref<1x200x128xf32, #tpu.memory_space<vmem>> -> memref<200x128xf32, #tpu.memory_space<vmem>>
    tpu.wait_dma2 semaphore(%arg16 : memref<!tpu.dma_semaphore, #tpu.memory_space<semaphore_mem>>) src(%dma_wait3A_207 : memref<200x128xf32, #tpu.memory_space<vmem>>) dst(%dma_wait3A_203 : memref<200x128xf32, #tpu.memory_space<hbm>>)
    return
  }
}

</mosaic_0001>

<sc_bundles>
// kernel: kernel.3.cloned.1.call-start
scs
__scs_entry_jumppad:
0x0: {  	(pc) =	sbr.rel $0x88, $3  }
0x1: {  	(tag) =	ssettag $0x0;
	lr =	simm.s32 $0x1  }
0x2: {  	[smem:$0x3F9E] =	sst lr;
	_ =	strace $0xD0000000  }
0x3: {  	_ = 	snop  }
0x4: {  	_ = 	snop  }
0x5: {  	_ = 	snop  }
0x6: {  	_ = 	snop  }
0x7: {  	_ = 	snop  }
__scs_overlays_trampoline_lowered:
0x8: {  	[smem:$0x3FAD] =	sst s0  }
0x9: {  	[smem:$0x3FAE] =	sst s1  }
0xa: {  	[smem:$0x3FAF] =	sst s2  }
0xb: {  	[smem:$0x3FB0] =	sst s3  }
0xc: {  	[smem:$0x3FB1] =	sst s4  }
0xd: {  	[smem:$0x3FB2] =	sst s5  }
0xe: {  	[smem:$0x3FB3] =	sst s6  }
0xf: {  	[smem:$0x3FB4] =	sst s7  }
0x10: {  	[smem:$0x3FB5] =	sst s8  }
0x11: {  	[smem:$0x3FB6] =	sst s9;
	s0 =	simm.s32 @!p0 $0x0  }
0x12: {  	s1 =	sld [smem:$0x3F9C];
	s0 =	simm.s32 @p0 $0x1  }
0x13: {  	[smem:$0x3FB7] =	sst s0;
	s0 =	simm.s32 @!p1 $0x0  }
0x14: {  	s2 =	sld [smem:$0x3F9B];
	s0 =	simm.s32 @p1 $0x1  }
0x15: {  	[smem:$0x3FB8] =	sst s0;
	s0 =	simm.s32 @!p2 $0x0  }
0x16: {  	s3 =	sld [smem:$0x3FDB];
	s0 =	simm.s32 @p2 $0x1  }
0x17: {  	s4 =	simm.s32 $0x1BF5;
	[smem:$0x3FBA] =	sst s0  }
0x18: {  	s0 =	sld [smem:$0x3F9D];
	_ =	swait.ge [sflag:s4], $0x0  }
0x19: {  	s7 =	sld [smem:$0x3F9E]  }
0x1a: {  	s8 =	sadd.s32 $0xFFFFE003, lr  }
0x1b: {  	s9 =	sadd.s32 $0xFFFFFEF7, lr;
	s5 =	simm.s32 $0xFFFFFFFF;
	p2 =	slt.u32 s8, $0xFFFFF086  }
0x1c: {  	p1 =	slt.u32 s9, $0xF7A;
	s5 =	simm.s32 @!p2 $0x0  }
0x1d: {  	s5 =	simm.s32 @p1 $0x1;
	p0 =	seq.s32 s7, s2  }
0x1e: {  	s7 =	smul.u32 @!p0 $0xF7A, s2;
	p2 =	seq.s32 @!p0 s5, $0x0  }
0x1f: {  	s9 =	smul.u32 $0xF7A, s1;
	s8 =	simm.s32 @!p0 $0x1BF5;
	p2 =	por !p2, p0  }
0x20: {  	[sflag:s8] =	ssyncset.s32 @!p0 $0xFFFFF086;
	s6 =	sadd.s32 @!p0 s3, s7;
	s7 =	simm.s32 @!p0 $0x108  }
0x21: {  	s3 =	sadd.s32 s3, s9;
	s6 =	sadd.s32 @!p0 $0x88, s6;
	s7 =	simm.s32 @p2 $0x1082  }
0x22: {  	[simem:s7], [sflag:s8] =	dma.local @!p0 [hbm:s6], $0xF7A  }
0x23: {  	s9 =	sor.u32 $0xD0000000, s2;
	s6 =	simm.s32 $0x108;
	_ =	swait.ge @!p0 [sflag:s8], $0x0  }
0x24: {  	s3 =	sadd.s32 $0x88, s3;
	s6 =	simm.s32 @!p1 $0x1082;
	[sflag:s4] =	ssyncset.s32 $0xFFFFF086  }
0x25: {  	[simem:s6], [sflag:s4] =	dma.local [hbm:s3], $0xF7A  }
0x26: {  	[smem:$0x3F9E] =	sst s1;
	(tag) =	ssettag s2;
	_ =	strace s9  }
0x27: {  	s1 =	sld [smem:$0x3FAE]  }
0x28: {  	s2 =	sld [smem:$0x3FAF]  }
0x29: {  	s4 =	sld [smem:$0x3FB1]  }
0x2a: {  	p0 =	seq.s32 s5, $0x0;
	s5 =	sld [smem:$0x3FB2]  }
0x2b: {  	s6 =	sld [smem:$0x3FB3]  }
0x2c: {  	s7 =	sld [smem:$0x3FB4]  }
0x2d: {  	s3 =	simm.s32 $0x108;
	s8 =	sld [smem:$0x3FB5]  }
0x2e: {  	s3 =	simm.s32 @!p0 $0x1082;
	s9 =	sld [smem:$0x3FB6]  }
0x2f: {  	lr =	sadd.s32 s0, s3;
	s0 =	sld [smem:$0x3FAD]  }
0x30: {  	s3 =	sld [smem:$0x3FB0]  }
0x31: {  	[smem:$0x3FB9] =	sst s10  }
0x32: {  	s10 =	sld [smem:$0x3FB7];
	_ =	sdelay $0x3  }
0x33: {  	p0 =	seq.s32 s10, $0x1;
	s10 =	sld [smem:$0x3FB9];
	_ =	sdelay $0x3  }
0x34: {  	[smem:$0x3FB9] =	sst s10  }
0x35: {  	s10 =	sld [smem:$0x3FB8];
	_ =	sdelay $0x3  }
0x36: {  	p1 =	seq.s32 s10, $0x1;
	s10 =	sld [smem:$0x3FB9];
	_ =	sdelay $0x3  }
0x37: {  	[smem:$0x3FB9] =	sst s10  }
0x38: {  	s10 =	sld [smem:$0x3FBA]  }
0x39: {  	_ = 	snop;
	(pc) =	sbr.ind lr, $3  }
0x3a: {  	_ = 	snop  }
0x3b: {  	_ = 	snop  }
0x3c: {  	p2 =	seq.s32 s10, $0x1;
	s10 =	sld [smem:$0x3FB9]  }
0x3d: {  	_ =	shalt  }
0x3e: {  	_ =	shalt  }
0x3f: {  	_ =	shalt  }
0x40: {  	_ =	shalt  }
0x41: {  	_ =	shalt  }
0x42: {  	_ =	shalt  }
0x43: {  	_ =	shalt  }
0x44: {  	_ =	shalt  }
0x45: {  	_ =	shalt  }
0x46: {  	_ =	shalt  }
0x47: {  	_ =	shalt  }
0x48: {  	_ =	shalt  }
0x49: {  	_ =	shalt  }
0x4a: {  	_ =	shalt  }
0x4b: {  	_ =	shalt  }
0x4c: {  	_ =	shalt  }
0x4d: {  	_ =	shalt  }
0x4e: {  	_ =	shalt  }
0x4f: {  	_ =	shalt  }
0x50: {  	_ =	shalt  }
0x51: {  	_ =	shalt  }
0x52: {  	_ =	shalt  }
0x53: {  	_ =	shalt  }
0x54: {  	_ =	shalt  }
0x55: {  	_ =	shalt  }
0x56: {  	_ =	shalt  }
0x57: {  	_ =	shalt  }
0x58: {  	_ =	shalt  }
0x59: {  	_ =	shalt  }
0x5a: {  	_ =	shalt  }
0x5b: {  	_ =	shalt  }
0x5c: {  	_ =	shalt  }
0x5d: {  	_ =	shalt  }
0x5e: {  	_ =	shalt  }
0x5f: {  	_ =	shalt  }
0x60: {  	_ =	shalt  }
0x61: {  	_ =	shalt  }
0x62: {  	_ =	shalt  }
0x63: {  	_ =	shalt  }
0x64: {  	_ =	shalt  }
0x65: {  	_ =	shalt  }
0x66: {  	_ =	shalt  }
0x67: {  	_ =	shalt  }
0x68: {  	_ =	shalt  }
0x69: {  	_ =	shalt  }
0x6a: {  	_ =	shalt  }
0x6b: {  	_ =	shalt  }
0x6c: {  	_ =	shalt  }
0x6d: {  	_ =	shalt  }
0x6e: {  	_ =	shalt  }
0x6f: {  	_ =	shalt  }
0x70: {  	_ =	shalt  }
0x71: {  	_ =	shalt  }
0x72: {  	_ =	shalt  }
0x73: {  	_ =	shalt  }
0x74: {  	_ =	shalt  }
0x75: {  	_ =	shalt  }
0x76: {  	_ =	shalt  }
0x77: {  	_ =	shalt  }
0x78: {  	_ =	shalt  }
0x79: {  	_ =	shalt  }
0x7a: {  	_ =	shalt  }
0x7b: {  	_ =	shalt  }
0x7c: {  	_ =	shalt  }
0x7d: {  	_ =	shalt  }
0x7e: {  	_ =	shalt  }
0x7f: {  	_ =	shalt  }
0x80: {  	_ =	shalt  }
0x81: {  	_ =	shalt  }
0x82: {  	_ =	shalt  }
0x83: {  	_ =	shalt  }
0x84: {  	_ =	shalt  }
0x85: {  	_ =	shalt  }
0x86: {  	_ =	shalt  }
0x87: {  	_ =	shalt  }
.Lfunc_end0:
.L_simem_size_0:
called_computation_lowered:
.L_overlay_start_0:
0x88: {  	s2 =	sld [smem:$0x3FD9]  }
0x89: {  	s3 =	sld [smem:$0x3FFE];
	_ =	sdelay $0x1  }
0x8a: {  	s1 =	srdreg.scid  }
0x8b: {  	s0 =	sand.u32 $0x1, s1  }
0x8c: {  	s17 =	sshll.u32 s0, $0xA;
	s2 =	sadd.s32 s3, s2  }
0x8d: {  	s2 =	sadd.s32 s2, s17  }
0x8e: {  	[smem:$0x3FC5] =	sst s2  }
0x8f: {  	_ = 	snop  }
0x90: {  	s2 =	sld [smem:$0x3FC8]  }
0x91: {  	s18 =	sld [smem:$0x3FD0];
	(tm) =	ssettm $0x1  }
0x92: {  	s4 =	sld [smem:$0x3FFB];
	_ =	sdelay $0x3  }
0x93: {  	_ =	strace s4  }
0x94: {  	s4 =	sld [smem:$0x3FFC];
	_ =	sdelay $0x3  }
0x95: {  	_ =	strace s4  }
0x96: {  	s4 =	sld [smem:$0x3FFD];
	_ =	sdelay $0x3  }
0x97: {  	_ =	strace s4  }
0x98: {  	_ =	strace $0x8FFFFFFF  }
0x99: {  	s19 =	sld [smem:$0x3FDB];
	_ =	sdelay $0x1  }
0x9a: {  	s5 =	simm.s32 $_scs_section_size  }
0x9b: {  	s6 =	simm.s32 $_size__tile_overlayer_lowered;
	s7 =	simm.s32 $_tile_overlayer_lowered  }
0x9c: {  	s22 =	simm.s32 $0x1BFF;
	s21 =	sshll.u32 s7, $0x1;
	s4 =	sadd.s32 s5, s19  }
0x9d: {  	s8 =	simm.s32 $0x0;
	s20 =	sshll.u32 s6, $0x1;
	s6 =	sadd.s32 s21, s4  }
0x9e: {  	[timem:s8], [sflag:s22] =	dma.local [hbm:s6], s20  }
0x9f: {  	_ =	swait.ge [sflag:s22], s20  }
0xa0: {  	s5 =	ssub.s32 $0x0, s20;
	[sflag:s22] =	ssyncset.done $0x0  }
0xa1: {  	[sflag:s22] =	ssyncadd.s32 s5;
	_ =	sdelay $0x1  }
0xa2: {  	s23 =	simm.s32 $0x1B8B  }
0xa3: {  	_ =	swait.ge [sflag:s23], $0x1  }
0xa4: {  	[sflag:s23] =	ssyncset.done $0x0  }
0xa5: {  	s25 =	simm.s32 $0x1B8E;
	s24 =	sld [smem:$0x3FFE];
	[sflag:s23] =	ssyncadd.s32 $0xFFFFFFFF  }
0xa6: {  	s26 =	simm.s32 $execute0_lowered;
	[smem:$0x3FD2] =	sst s25  }
0xa7: {  	s6 =	sshll.u32 s26, $0x1;
	_ =	strace $0x80000046;
	[dreg:$0x1] =	wrdreg $0xFFFFFFFF  }
0xa8: {  	s28 =	simm.s32 $_size_execute0_lowered;
	s4 =	sadd.s32 s4, s6;
	[dreg:$0x0] =	wrdreg $0x0  }
0xa9: {  	s6 =	sshll.u32 s28, $0x1;
	[dreg:$0x2] =	wrdreg s4  }
0xaa: {  	[dreg:$0x3] =	wrdreg s6  }
0xab: {  	[dreg:$0x4] =	wrdreg $0xC0  }
0xac: {  	_ =	task [dreg:s8], $0x5FFFF  }
0xad: {  	[dreg:$0x1] =	wrdreg $0xFFFFFFFF  }
0xae: {  	[dreg:$0x0] =	wrdreg $0x60  }
0xaf: {  	[dreg:$0x2] =	wrdreg s24  }
0xb0: {  	[dreg:$0x3] =	wrdreg s2  }
0xb1: {  	[dreg:$0x4] =	wrdreg s18  }
0xb2: {  	[dreg:$0x5] =	wrdreg $0x9  }
0xb3: {  	_ =	task.clear_ibuf [dreg:s8], $0x6FFFF;
	_ =	strace $0x90000046  }
0xb4: {  	s29 =	simm.s32 $0x9;
	_ =	strace $0x80000048  }
0xb5: {  	_ =	swait.ge [sflag:s29], $0x1  }
0xb6: {  	[sflag:s29] =	ssyncadd.s32 $0xFFFFFFFF  }
0xb7: {  	_ =	strace $0x90000048  }
0xb8: {  	_ =	sfence  }
0xb9: {  	s30 =	sld [smem:$0x0];
	_ =	sdelay $0x2  }
0xba: {  	s31 =	sshll.u32 s1, $0xD;
	s1 =	sshrl.u32 s1, $0x2  }
0xbb: {  	s3 =	sand.u32 $0x4000, s31;
	s1 =	sadd.s32 s1, s30  }
0xbc: {  	s0 =	sor.u32 s3, s0;
	s1 =	sshll.u32 s1, $0x11  }
0xbd: {  	s0 =	sor.u32 s1, s0  }
0xbe: {  	s0 =	sadd.s32 $0x8F2B, s0  }
0xbf: {  	[sflag:s0] =	ssyncadd.remote.s32 $0x1  }
0xc0: {  	_ =	sfence.sel $0xFFFF  }
0xc1: {  	[dreg:$0x0] =	wrdreg $0xFFFFFFFF;
	(pc) =	sbr.abs _section_cstart, $3  }
0xc2: {  	[dreg:$0x1] =	wrdreg $0xFFFFFFFF  }
0xc3: {  	_ =	task.clear_ibuf [dreg:s8], $0x2FFFF;
	_ =	strace $0x9FFFFFFF  }
0xc4: {  	(tm) =	ssettm $0x7FFFFFFF  }
0xc5: {  	_ =	shalt  }
tec
execute0_lowered:
.L_overlay_start_1:
0x0: {  	(tag) =	ssettag $0x1  }
0x1: {  	s0 =	rddreg [dreg:$0x0]  }
0x2: {  	s2 =	rddreg [dreg:$0x1];
	s1 =	srdreg.scid  }
0x3: {  	s4 =	stileid.u32;
	s3 =	rddreg [dreg:$0x2]  }
0x4: {  	s28 =	simm.s32 $0x60;
	s29 =	simm.s32 $0xCC00;
	s10 =	simm.s32 $0x13000  }
0x5: {  	s12 =	simm.s32 $0x1;
	s13 =	simm.s32 $0x2;
	s1 =	sand.u32 $0x1, s1  }
0x6: {  	s5 =	sshll.u32 s4, $0x1;
	s4 =	simm.s32 $0x0;
	s6 =	sadd.s32 $0x1200, s0  }
0x7: {  	s0 =	sadd.s32 $0x400, s0;
	s5 =	sor.u32 s1, s5;
	s1 =	ssub.s32 $0x2, s1  }
0x8: {  	[smem:$0x7FF] =	sst s4;
	s5 =	smul.u32 $0x6400, s5;
	s21 =	sshrl.u32 s1, $0x1  }
0x9: {  	_ =	strace $0x80000047;
	[dreg:$0x4] =	wrdreg s0;
	s0 =	ssub.s32 s1, s21  }
0xa: {  	s14 =	simm.s32 $0x3;
	s7 =	sshrl.u32 s5, $0x3;
	s0 =	smax.u32 s0, $0x1  }
0xb: {  	s15 =	simm.s32 $0x4;
	s7 =	sadd.s32 s6, s7;
	[dreg:$0xd] =	wrdreg s0  }
0xc: {  	s8 =	simm.s32 $0x0;
	s22 =	sadd.s32 $0xD, s7;
	[dreg:$0x5] =	wrdreg s7  }
0xd: {  	s21 =	simm.s32 $0x7;
	s23 =	sadd.s32 $0x19, s7;
	[dreg:$0x6] =	wrdreg s22  }
0xe: {  	s16 =	sor.u32 $0xC8, s5;
	s24 =	sadd.s32 $0x26, s7;
	[dreg:$0x7] =	wrdreg s23  }
0xf: {  	s17 =	sor.u32 $0x320, s5;
	s25 =	sadd.s32 $0x32, s7;
	[dreg:$0x8] =	wrdreg s24  }
.Ltmp0:
0x10: {  	s26 =	sadd.s32 $0x3F, s7;
	[dreg:$0x9] =	wrdreg s25;
	(pc) =	sbr.rel .LBB2_1-.Ltmp0, $4  }
0x11: {  	s18 =	sor.u32 $0x190, s5;
	s30 =	sadd.s32 $0x4B, s7;
	[dreg:$0xa] =	wrdreg s26  }
0x12: {  	s19 =	sor.u32 $0x3E8, s5;
	s31 =	sadd.s32 $0x58, s7;
	[dreg:$0xb] =	wrdreg s30  }
0x13: {  	s20 =	sadd.s32 $0x4B0, s5;
	s0 =	simm.s32 $0x280;
	[dreg:$0xc] =	wrdreg s31  }
0x14: {  	s23 =	simm.s32 $0x9;
	s24 =	simm.s32 $0x68;
	s22 =	simm.s32 $0x200  }
.LBB2_12:
0x15: {  	s1 =	simm.s32 $0x5  }
0x16: {  	_ =	swait.ge [sflag:s1], $0x6400  }
0x17: {  	[sflag:s1] =	ssyncset.done $0x0  }
0x18: {  	s30 =	simm.s32 $0x6;
	[sflag:s1] =	ssyncadd.s32 $0xFFFF9C00  }
0x19: {  	_ =	swait.ge [sflag:s30], $0x6400  }
0x1a: {  	[sflag:s30] =	ssyncset.done $0x0  }
0x1b: {  	[sflag:s30] =	ssyncadd.s32 $0xFFFF9C00  }
0x1c: {  	_ =	swait.ge [sflag:s21], $0x6400  }
0x1d: {  	[sflag:s21] =	ssyncset.done $0x0  }
0x1e: {  	s7 =	simm.s32 $0x8;
	[sflag:s21] =	ssyncadd.s32 $0xFFFF9C00  }
0x1f: {  	_ =	swait.ge [sflag:s7], $0x6400  }
0x20: {  	s8 =	rddreg [dreg:$0xe]  }
0x21: {  	s31 =	rddreg [dreg:$0xd];
	s8 =	sadd.s32 $0x1, s8  }
0x22: {  	p0 =	sne.s32 s8, s31  }
.Ltmp1:
0x23: {  	_ = 	snop;
	(pc) =	sbr.rel @!p0 .LBB2_13-.Ltmp1, $3  }
0x24: {  	_ =	sdelay $0x1  }
0x25: {  	[sflag:s7] =	ssyncset.done $0x0  }
0x26: {  	[sflag:s7] =	ssyncadd.s32 $0xFFFF9C00  }
.LBB2_1:
0x27: {  	[dreg:$0xe] =	wrdreg s8  }
0x28: {  	s1 =	rddreg [dreg:$0x4];
	s7 =	simm.s32 $0x19400  }
0x29: {  	[tilespmem:s7], [sflag:$0x9] =	stream.linear.gather [hbm4b:s1+s4], $0x6400, $0x38;
	[tilespmem:$0x1F800] =	vst v63  }
0x2a: {  	_ =	swait.ge [sflag:s23], $0x6400  }
0x2b: {  	[sflag:s23] =	ssyncset.done $0x0  }
0x2c: {  	s25 =	rddreg [dreg:$0x5];
	[sflag:s23] =	ssyncadd.s32 $0xFFFF9C00  }
0x2d: {  	[tilespmem:s4], [sflag:$0x9] =	stream.linear.gather [hbm4b:s25+s4], $0x68, $0x38;
	[tilespmem:$0x1F800] =	vst v63  }
0x2e: {  	_ =	swait.ge [sflag:s23], $0x68  }
0x2f: {  	[sflag:s23] =	ssyncset.done $0x0  }
0x30: {  	s26 =	simm.s32 $0x400;
	[sflag:s23] =	ssyncadd.s32 $0xFFFFFF98  }
0x31: {  	[tilespmem:s26], [sflag:$0x1] =	stream.indirect.gather [hbm4b:s2+s24], $0x80, s4, s24, $0xb8;
	[tilespmem:$0x1F800] =	vst v63  }
0x32: {  	s31 =	simm.s32 $0x80;
	s30 =	rddreg [dreg:$0x6]  }
0x33: {  	[tilespmem:s31], [sflag:$0x9] =	stream.linear.gather [hbm4b:s30+s4], $0x60, $0x38;
	[tilespmem:$0x1F800] =	vst v63  }
0x34: {  	_ =	swait.ge [sflag:s23], $0x60  }
0x35: {  	[sflag:s23] =	ssyncset.done $0x0  }
0x36: {  	s8 =	simm.s32 $0x3800;
	[sflag:s23] =	ssyncadd.s32 $0xFFFFFFA0  }
0x37: {  	[tilespmem:s8], [sflag:$0x1] =	stream.indirect.gather [hbm4b:s2+s28], $0x80, s31, s28, $0xb8;
	[tilespmem:$0x1F800] =	vst v63  }
0x38: {  	s11 =	simm.s32 $0x100;
	s9 =	rddreg [dreg:$0x7]  }
0x39: {  	[tilespmem:s11], [sflag:$0x9] =	stream.linear.gather [hbm4b:s9+s4], $0x68, $0x38;
	[tilespmem:$0x1F800] =	vst v63  }
0x3a: {  	_ =	swait.ge [sflag:s23], $0x68  }
0x3b: {  	[sflag:s23] =	ssyncset.done $0x0  }
0x3c: {  	s25 =	simm.s32 $0x6800;
	[sflag:s23] =	ssyncadd.s32 $0xFFFFFF98  }
0x3d: {  	[tilespmem:s25], [sflag:$0x2] =	stream.indirect.gather [hbm4b:s2+s24], $0x80, s11, s24, $0xb8;
	[tilespmem:$0x1F800] =	vst v63  }
0x3e: {  	s30 =	simm.s32 $0x180;
	s26 =	rddreg [dreg:$0x8]  }
0x3f: {  	[tilespmem:s30], [sflag:$0x9] =	stream.linear.gather [hbm4b:s26+s4], $0x60, $0x38;
	[tilespmem:$0x1F800] =	vst v63  }
0x40: {  	_ =	swait.ge [sflag:s23], $0x60  }
0x41: {  	[sflag:s23] =	ssyncset.done $0x0  }
0x42: {  	s31 =	simm.s32 $0x9C00;
	[sflag:s23] =	ssyncadd.s32 $0xFFFFFFA0  }
0x43: {  	[tilespmem:s31], [sflag:$0x2] =	stream.indirect.gather [hbm4b:s2+s28], $0x80, s30, s28, $0xb8;
	[tilespmem:$0x1F800] =	vst v63  }
0x44: {  	s7 =	rddreg [dreg:$0x9]  }
0x45: {  	[tilespmem:s22], [sflag:$0x9] =	stream.linear.gather [hbm4b:s7+s4], $0x68, $0x38;
	[tilespmem:$0x1F800] =	vst v63  }
0x46: {  	_ =	swait.ge [sflag:s23], $0x68  }
0x47: {  	[sflag:s23] =	ssyncset.done $0x0  }
0x48: {  	[sflag:s23] =	ssyncadd.s32 $0xFFFFFF98  }
0x49: {  	[tilespmem:s29], [sflag:$0x3] =	stream.indirect.gather [hbm4b:s2+s24], $0x80, s22, s24, $0xb8;
	[tilespmem:$0x1F800] =	vst v63  }
0x4a: {  	s8 =	rddreg [dreg:$0xa]  }
0x4b: {  	[tilespmem:s0], [sflag:$0x9] =	stream.linear.gather [hbm4b:s8+s4], $0x60, $0x38;
	[tilespmem:$0x1F800] =	vst v63  }
0x4c: {  	_ =	swait.ge [sflag:s23], $0x60  }
0x4d: {  	[sflag:s23] =	ssyncset.done $0x0  }
0x4e: {  	s9 =	simm.s32 $0x10000;
	[sflag:s23] =	ssyncadd.s32 $0xFFFFFFA0  }
0x4f: {  	[tilespmem:s9], [sflag:$0x3] =	stream.indirect.gather [hbm4b:s2+s28], $0x80, s0, s28, $0xb8;
	[tilespmem:$0x1F800] =	vst v63  }
0x50: {  	s25 =	simm.s32 $0x300;
	s11 =	rddreg [dreg:$0xb]  }
0x51: {  	[tilespmem:s25], [sflag:$0x9] =	stream.linear.gather [hbm4b:s11+s4], $0x68, $0x38;
	[tilespmem:$0x1F800] =	vst v63  }
0x52: {  	_ =	swait.ge [sflag:s23], $0x68  }
0x53: {  	[sflag:s23] =	ssyncset.done $0x0  }
0x54: {  	[sflag:s23] =	ssyncadd.s32 $0xFFFFFF98  }
0x55: {  	[tilespmem:s10], [sflag:$0x4] =	stream.indirect.gather [hbm4b:s2+s24], $0x80, s25, s24, $0xb8;
	[tilespmem:$0x1F800] =	vst v63  }
0x56: {  	s30 =	simm.s32 $0x380;
	s26 =	rddreg [dreg:$0xc]  }
0x57: {  	[tilespmem:s30], [sflag:$0x9] =	stream.linear.gather [hbm4b:s26+s4], $0x60, $0x38;
	[tilespmem:$0x1F800] =	vst v63  }
0x58: {  	_ =	swait.ge [sflag:s23], $0x60  }
0x59: {  	[sflag:s23] =	ssyncset.done $0x0  }
0x5a: {  	s31 =	simm.s32 $0x16400;
	s11 =	simm.s32 $0x0;
	[sflag:s23] =	ssyncadd.s32 $0xFFFFFFA0  }
0x5b: {  	[tilespmem:s31], [sflag:$0x4] =	stream.indirect.gather [hbm4b:s2+s28], $0x80, s30, s28, $0xb8;
	[tilespmem:$0x1F800] =	vst v63  }
.LBB2_2:
0x5c: {  	_ =	swait.ge [sflag:s12], $0x3400  }
0x5d: {  	[sflag:s12] =	ssyncset.done $0x0  }
0x5e: {  	[sflag:s12] =	ssyncadd.s32 $0xFFFFCC00  }
0x5f: {  	_ =	swait.ge [sflag:s12], $0x3000  }
0x60: {  	[sflag:s12] =	ssyncset.done $0x0  }
0x61: {  	s26 =	simm.s32 $0x0;
	[sflag:s12] =	ssyncadd.s32 $0xFFFFD000  }
0x62: {  	v6 =	vld [tilespmem:s26+$0x19400]  }
0x63: {  	v11 =	vld [tilespmem:s26+$0x19410]  }
0x64: {  	v5 =	vld [tilespmem:s26+$0x19420]  }
0x65: {  	v4 =	vld [tilespmem:s26+$0x19430]  }
0x66: {  	v3 =	vld [tilespmem:s26+$0x19440]  }
0x67: {  	v2 =	vld [tilespmem:s26+$0x19450]  }
0x68: {  	v1 =	vld [tilespmem:s26+$0x19460]  }
0x69: {  	v0 =	vld [tilespmem:s26+$0x19470]  }
0x6a: {  	v12 =	vld [tilespmem:s26+$0x400]  }
0x6b: {  	v13 =	vld [tilespmem:s26+$0x410]  }
0x6c: {  	v10 =	vld [tilespmem:s26+$0x420]  }
0x6d: {  	v9 =	vld [tilespmem:s26+$0x430]  }
0x6e: {  	v8 =	vld [tilespmem:s26+$0x440]  }
0x6f: {  	v7 =	vld [tilespmem:s26+$0x450];
	v12 =	vadd.f32 v6, v12  }
0x70: {  	s8 =	simm.s32 $0x200;
	v11 =	vadd.f32 v11, v13;
	v6 =	vld [tilespmem:s26+$0x460]  }
.LBB2_3:
0x71: {  	s1 =	sshra.s32 s8, $0x2;
	p0 =	sne.s32 s8, $0x18E00;
	[tilespmem:s26+$0x400] =	vst v12;
	v5 =	vadd.f32 v5, v10;
	v10 =	vld [tilespmem:s26+$0x470]  }
0x72: {  	v12 =	vld [tilespmem:s1+$0x19400];
	[tilespmem:s26+$0x410] =	vst v11;
	v4 =	vadd.f32 v4, v9  }
0x73: {  	v11 =	vld [tilespmem:s1+$0x19410];
	[tilespmem:s26+$0x420] =	vst v5;
	v3 =	vadd.f32 v3, v8  }
0x74: {  	v5 =	vld [tilespmem:s1+$0x19420];
	[tilespmem:s26+$0x430] =	vst v4;
	v2 =	vadd.f32 v2, v7  }
0x75: {  	v4 =	vld [tilespmem:s1+$0x19430];
	[tilespmem:s26+$0x440] =	vst v3;
	v1 =	vadd.f32 v1, v6  }
0x76: {  	v3 =	vld [tilespmem:s1+$0x19440];
	[tilespmem:s26+$0x450] =	vst v2;
	v0 =	vadd.f32 v0, v10  }
0x77: {  	v2 =	vld [tilespmem:s1+$0x19450];
	[tilespmem:s26+$0x460] =	vst v1  }
0x78: {  	v1 =	vld [tilespmem:s1+$0x19460];
	[tilespmem:s26+$0x470] =	vst v0;
	s26 =	smov.u32 s1  }
0x79: {  	v0 =	vld [tilespmem:s26+$0x19470]  }
0x7a: {  	v6 =	vld [tilespmem:s26+$0x400]  }
0x7b: {  	v13 =	vld [tilespmem:s26+$0x410]  }
.Ltmp2:
0x7c: {  	v10 =	vld [tilespmem:s26+$0x420];
	(pc) =	sbr.rel @p0 .LBB2_3-.Ltmp2, $4  }
0x7d: {  	v9 =	vld [tilespmem:s26+$0x430]  }
0x7e: {  	v8 =	vld [tilespmem:s26+$0x440]  }
0x7f: {  	v12 =	vadd.f32 v12, v6;
	v7 =	vld [tilespmem:s26+$0x450]  }
0x80: {  	s8 =	sadd.s32 $0x200, s8;
	v11 =	vadd.f32 v11, v13;
	v6 =	vld [tilespmem:s26+$0x460]  }
0x81: {  	[tilespmem:s26+$0x400] =	vst v12;
	v5 =	vadd.f32 v5, v10;
	v10 =	vld [tilespmem:s26+$0x470]  }
0x82: {  	[tilespmem:s26+$0x410] =	vst v11;
	v4 =	vadd.f32 v4, v9  }
0x83: {  	[tilespmem:s26+$0x420] =	vst v5;
	v3 =	vadd.f32 v3, v8  }
0x84: {  	s8 =	smul.u32 $0x320, s11;
	[tilespmem:s26+$0x430] =	vst v4;
	v2 =	vadd.f32 v2, v7  }
0x85: {  	[tilespmem:s26+$0x440] =	vst v3;
	v1 =	vadd.f32 v1, v6  }
0x86: {  	s1 =	sadd.s32 s5, s8;
	[tilespmem:s26+$0x450] =	vst v2;
	v0 =	vadd.f32 v0, v10  }
0x87: {  	s7 =	simm.s32 $0x400;
	s1 =	sshll.u32 s1, $0x4;
	[tilespmem:s26+$0x460] =	vst v1  }
0x88: {  	p0 =	seq.s32 s11, $0x0;
	s1 =	sadd.s32 s3, s1;
	[tilespmem:s26+$0x470] =	vst v0;
	s26 =	sshllo.u32 s11, $0x2  }
0x89: {  	[hbm4b:s1+s4] =	stream.linear.scatter [tilespmem:s7], [sflag:$0x5], $0x6400, $0x38;
	[tilespmem:$0x1F800] =	vst v63  }
0x8a: {  	s1 =	simm.s32 @!p0 $0x8;
	s30 =	smul.u32 @!p0 $0xC8, s26  }
0x8b: {  	_ =	swait.ge @!p0 [sflag:s1], $0x6400  }
0x8c: {  	[sflag:s1] =	ssyncset.done @!p0 $0x0;
	s30 =	sadd.s32 @!p0 s5, s30  }
0x8d: {  	[sflag:s1] =	ssyncadd.s32 @!p0 $0xFFFF9C00;
	s1 =	sshrl.u32 @!p0 s30, $0x3  }
0x8e: {  	s9 =	simm.s32 @!p0 $0x0;
	s7 =	simm.s32 @!p0 $0x300;
	s1 =	sadd.s32 @!p0 s6, s1  }
0x8f: {  	[tilespmem:s7], [sflag:$0x9] =	stream.linear.gather @!p0 [hbm4b:s1+s9], $0x68, $0x38;
	[tilespmem:$0x1F800] =	vst v63  }
0x90: {  	s1 =	simm.s32 @!p0 $0x9  }
0x91: {  	_ =	swait.ge @!p0 [sflag:s1], $0x68  }
0x92: {  	[sflag:s1] =	ssyncset.done @!p0 $0x0  }
0x93: {  	s25 =	simm.s32 @!p0 $0x68;
	s31 =	simm.s32 @!p0 $0x13000;
	[sflag:s1] =	ssyncadd.s32 @!p0 $0xFFFFFF98  }
0x94: {  	[tilespmem:s31], [sflag:$0x4] =	stream.indirect.gather @!p0 [hbm4b:s2+s25], $0x80, s7, s25, $0xb8;
	[tilespmem:$0x1F800] =	vst v63  }
0x95: {  	s7 =	sadd.s32 @!p0 $0x68, s30  }
0x96: {  	s7 =	sshrl.u32 @!p0 s7, $0x3  }
0x97: {  	s25 =	simm.s32 @!p0 $0x380;
	s7 =	sadd.s32 @!p0 s6, s7  }
0x98: {  	[tilespmem:s25], [sflag:$0x9] =	stream.linear.gather @!p0 [hbm4b:s7+s9], $0x60, $0x38;
	[tilespmem:$0x1F800] =	vst v63  }
0x99: {  	_ =	swait.ge @!p0 [sflag:s1], $0x60  }
0x9a: {  	[sflag:s1] =	ssyncset.done @!p0 $0x0  }
0x9b: {  	s7 =	simm.s32 @!p0 $0x16400;
	[sflag:s1] =	ssyncadd.s32 @!p0 $0xFFFFFFA0;
	s1 =	simm.s32 @!p0 $0x60  }
0x9c: {  	[tilespmem:s7], [sflag:$0x4] =	stream.indirect.gather @!p0 [hbm4b:s2+s1], $0x80, s25, s1, $0xb8;
	[tilespmem:$0x1F800] =	vst v63  }
0x9d: {  	_ =	swait.ge [sflag:s13], $0x3400  }
0x9e: {  	[sflag:s13] =	ssyncset.done $0x0  }
0x9f: {  	[sflag:s13] =	ssyncadd.s32 $0xFFFFCC00  }
0xa0: {  	_ =	swait.ge [sflag:s13], $0x3000  }
0xa1: {  	[sflag:s13] =	ssyncset.done $0x0  }
0xa2: {  	s30 =	simm.s32 $0x0;
	[sflag:s13] =	ssyncadd.s32 $0xFFFFD000  }
0xa3: {  	v7 =	vld [tilespmem:s30+$0x19400]  }
0xa4: {  	v11 =	vld [tilespmem:s30+$0x19410]  }
0xa5: {  	v5 =	vld [tilespmem:s30+$0x19420]  }
0xa6: {  	v4 =	vld [tilespmem:s30+$0x19430]  }
0xa7: {  	v3 =	vld [tilespmem:s30+$0x19440]  }
0xa8: {  	v2 =	vld [tilespmem:s30+$0x19450]  }
0xa9: {  	v1 =	vld [tilespmem:s30+$0x19460]  }
0xaa: {  	v0 =	vld [tilespmem:s30+$0x19470]  }
0xab: {  	v12 =	vld [tilespmem:s30+$0x6800]  }
0xac: {  	v13 =	vld [tilespmem:s30+$0x6810]  }
0xad: {  	v10 =	vld [tilespmem:s30+$0x6820]  }
0xae: {  	v9 =	vld [tilespmem:s30+$0x6830]  }
0xaf: {  	v8 =	vld [tilespmem:s30+$0x6840]  }
0xb0: {  	v6 =	vld [tilespmem:s30+$0x6850];
	v12 =	vadd.f32 v7, v12  }
0xb1: {  	s1 =	simm.s32 $0x200;
	v11 =	vadd.f32 v11, v13;
	v7 =	vld [tilespmem:s30+$0x6860]  }
.LBB2_5:
0xb2: {  	s7 =	sshra.s32 s1, $0x2;
	p0 =	sne.s32 s1, $0x18E00;
	[tilespmem:s30+$0x6800] =	vst v12;
	v5 =	vadd.f32 v5, v10;
	v10 =	vld [tilespmem:s30+$0x6870]  }
0xb3: {  	v12 =	vld [tilespmem:s7+$0x19400];
	[tilespmem:s30+$0x6810] =	vst v11;
	v4 =	vadd.f32 v4, v9  }
0xb4: {  	v11 =	vld [tilespmem:s7+$0x19410];
	[tilespmem:s30+$0x6820] =	vst v5;
	v3 =	vadd.f32 v3, v8  }
0xb5: {  	v5 =	vld [tilespmem:s7+$0x19420];
	[tilespmem:s30+$0x6830] =	vst v4;
	v2 =	vadd.f32 v2, v6  }
0xb6: {  	v4 =	vld [tilespmem:s7+$0x19430];
	[tilespmem:s30+$0x6840] =	vst v3;
	v1 =	vadd.f32 v1, v7  }
0xb7: {  	v3 =	vld [tilespmem:s7+$0x19440];
	[tilespmem:s30+$0x6850] =	vst v2;
	v0 =	vadd.f32 v0, v10  }
0xb8: {  	v2 =	vld [tilespmem:s7+$0x19450];
	[tilespmem:s30+$0x6860] =	vst v1  }
0xb9: {  	v1 =	vld [tilespmem:s7+$0x19460];
	[tilespmem:s30+$0x6870] =	vst v0;
	s30 =	smov.u32 s7  }
0xba: {  	v0 =	vld [tilespmem:s30+$0x19470]  }
0xbb: {  	v6 =	vld [tilespmem:s30+$0x6800]  }
0xbc: {  	v7 =	vld [tilespmem:s30+$0x6810]  }
.Ltmp3:
0xbd: {  	v10 =	vld [tilespmem:s30+$0x6820];
	(pc) =	sbr.rel @p0 .LBB2_5-.Ltmp3, $4  }
0xbe: {  	v9 =	vld [tilespmem:s30+$0x6830]  }
0xbf: {  	v8 =	vld [tilespmem:s30+$0x6840]  }
0xc0: {  	v12 =	vadd.f32 v12, v6;
	v6 =	vld [tilespmem:s30+$0x6850]  }
0xc1: {  	s1 =	sadd.s32 $0x200, s1;
	v11 =	vadd.f32 v11, v7;
	v7 =	vld [tilespmem:s30+$0x6860]  }
0xc2: {  	[tilespmem:s30+$0x6800] =	vst v12;
	v5 =	vadd.f32 v5, v10;
	v10 =	vld [tilespmem:s30+$0x6870]  }
0xc3: {  	[tilespmem:s30+$0x6810] =	vst v11;
	v4 =	vadd.f32 v4, v9  }
0xc4: {  	[tilespmem:s30+$0x6820] =	vst v5;
	v3 =	vadd.f32 v3, v8  }
0xc5: {  	[tilespmem:s30+$0x6830] =	vst v4;
	v2 =	vadd.f32 v2, v6  }
0xc6: {  	[tilespmem:s30+$0x6840] =	vst v3;
	v1 =	vadd.f32 v1, v7  }
0xc7: {  	s1 =	sadd.s32 s8, s16;
	[tilespmem:s30+$0x6850] =	vst v2;
	v0 =	vadd.f32 v0, v10  }
0xc8: {  	s1 =	sshll.u32 s1, $0x4;
	[tilespmem:s30+$0x6860] =	vst v1  }
0xc9: {  	s7 =	simm.s32 $0x6800;
	p0 =	seq.s32 s11, $0x1F;
	s1 =	sadd.s32 s3, s1;
	[tilespmem:s30+$0x6870] =	vst v0  }
0xca: {  	[hbm4b:s1+s4] =	stream.linear.scatter [tilespmem:s7], [sflag:$0x6], $0x6400, $0x38;
	[tilespmem:$0x1F800] =	vst v63  }
0xcb: {  	s1 =	simm.s32 @!p0 $0x5  }
0xcc: {  	s7 =	sadd.s32 @!p0 s8, s17;
	_ =	swait.ge @!p0 [sflag:s1], $0x6400  }
0xcd: {  	s9 =	sshrl.u32 @!p0 s7, $0x3;
	[sflag:s1] =	ssyncset.done @!p0 $0x0  }
0xce: {  	[sflag:s1] =	ssyncadd.s32 @!p0 $0xFFFF9C00;
	s1 =	sadd.s32 @!p0 s6, s9;
	s9 =	simm.s32 @!p0 $0x0  }
0xcf: {  	[tilespmem:s9], [sflag:$0x9] =	stream.linear.gather @!p0 [hbm4b:s1+s9], $0x68, $0x38;
	[tilespmem:$0x1F800] =	vst v63  }
0xd0: {  	s1 =	simm.s32 @!p0 $0x9  }
0xd1: {  	_ =	swait.ge @!p0 [sflag:s1], $0x68  }
0xd2: {  	s25 =	simm.s32 @!p0 $0x68;
	s7 =	sadd.s32 @!p0 $0x68, s7;
	[sflag:s1] =	ssyncset.done @!p0 $0x0  }
0xd3: {  	s30 =	simm.s32 @!p0 $0x400;
	s7 =	sshrl.u32 @!p0 s7, $0x3;
	[sflag:s1] =	ssyncadd.s32 @!p0 $0xFFFFFF98  }
0xd4: {  	[tilespmem:s30], [sflag:$0x1] =	stream.indirect.gather @!p0 [hbm4b:s2+s25], $0x80, s9, s25, $0xb8;
	[tilespmem:$0x1F800] =	vst v63  }
0xd5: {  	s7 =	sadd.s32 @!p0 s6, s7;
	s25 =	simm.s32 @!p0 $0x80  }
0xd6: {  	[tilespmem:s25], [sflag:$0x9] =	stream.linear.gather @!p0 [hbm4b:s7+s9], $0x60, $0x38;
	[tilespmem:$0x1F800] =	vst v63  }
0xd7: {  	_ =	swait.ge @!p0 [sflag:s1], $0x60  }
0xd8: {  	[sflag:s1] =	ssyncset.done @!p0 $0x0  }
0xd9: {  	s7 =	simm.s32 @!p0 $0x3800;
	[sflag:s1] =	ssyncadd.s32 @!p0 $0xFFFFFFA0;
	s1 =	simm.s32 @!p0 $0x60  }
0xda: {  	[tilespmem:s7], [sflag:$0x1] =	stream.indirect.gather @!p0 [hbm4b:s2+s1], $0x80, s25, s1, $0xb8;
	[tilespmem:$0x1F800] =	vst v63  }
0xdb: {  	_ =	swait.ge [sflag:s14], $0x3400  }
0xdc: {  	[sflag:s14] =	ssyncset.done $0x0  }
0xdd: {  	[sflag:s14] =	ssyncadd.s32 $0xFFFFCC00  }
0xde: {  	_ =	swait.ge [sflag:s14], $0x3000  }
0xdf: {  	[sflag:s14] =	ssyncset.done $0x0  }
0xe0: {  	s30 =	simm.s32 $0x0;
	[sflag:s14] =	ssyncadd.s32 $0xFFFFD000  }
0xe1: {  	v7 =	vld [tilespmem:s30+$0x19400]  }
0xe2: {  	v11 =	vld [tilespmem:s30+$0x19410]  }
0xe3: {  	v5 =	vld [tilespmem:s30+$0x19420]  }
0xe4: {  	v4 =	vld [tilespmem:s30+$0x19430]  }
0xe5: {  	v3 =	vld [tilespmem:s30+$0x19440]  }
0xe6: {  	v2 =	vld [tilespmem:s30+$0x19450]  }
0xe7: {  	v1 =	vld [tilespmem:s30+$0x19460]  }
0xe8: {  	v0 =	vld [tilespmem:s30+$0x19470]  }
0xe9: {  	v12 =	vld [tilespmem:s30+$0xCC00]  }
0xea: {  	v13 =	vld [tilespmem:s30+$0xCC10]  }
0xeb: {  	v10 =	vld [tilespmem:s30+$0xCC20]  }
0xec: {  	v9 =	vld [tilespmem:s30+$0xCC30]  }
0xed: {  	v8 =	vld [tilespmem:s30+$0xCC40]  }
0xee: {  	v6 =	vld [tilespmem:s30+$0xCC50];
	v12 =	vadd.f32 v7, v12  }
0xef: {  	s1 =	simm.s32 $0x200;
	v11 =	vadd.f32 v11, v13;
	v7 =	vld [tilespmem:s30+$0xCC60]  }
.LBB2_7:
0xf0: {  	s7 =	sshra.s32 s1, $0x2;
	p1 =	sne.s32 s1, $0x18E00;
	[tilespmem:s30+$0xCC00] =	vst v12;
	v5 =	vadd.f32 v5, v10;
	v10 =	vld [tilespmem:s30+$0xCC70]  }
0xf1: {  	v12 =	vld [tilespmem:s7+$0x19400];
	[tilespmem:s30+$0xCC10] =	vst v11;
	v4 =	vadd.f32 v4, v9  }
0xf2: {  	v11 =	vld [tilespmem:s7+$0x19410];
	[tilespmem:s30+$0xCC20] =	vst v5;
	v3 =	vadd.f32 v3, v8  }
0xf3: {  	v5 =	vld [tilespmem:s7+$0x19420];
	[tilespmem:s30+$0xCC30] =	vst v4;
	v2 =	vadd.f32 v2, v6  }
0xf4: {  	v4 =	vld [tilespmem:s7+$0x19430];
	[tilespmem:s30+$0xCC40] =	vst v3;
	v1 =	vadd.f32 v1, v7  }
0xf5: {  	v3 =	vld [tilespmem:s7+$0x19440];
	[tilespmem:s30+$0xCC50] =	vst v2;
	v0 =	vadd.f32 v0, v10  }
0xf6: {  	v2 =	vld [tilespmem:s7+$0x19450];
	[tilespmem:s30+$0xCC60] =	vst v1  }
0xf7: {  	v1 =	vld [tilespmem:s7+$0x19460];
	[tilespmem:s30+$0xCC70] =	vst v0;
	s30 =	smov.u32 s7  }
0xf8: {  	v0 =	vld [tilespmem:s30+$0x19470]  }
0xf9: {  	v6 =	vld [tilespmem:s30+$0xCC00]  }
0xfa: {  	v7 =	vld [tilespmem:s30+$0xCC10]  }
.Ltmp4:
0xfb: {  	v10 =	vld [tilespmem:s30+$0xCC20];
	(pc) =	sbr.rel @p1 .LBB2_7-.Ltmp4, $4  }
0xfc: {  	v9 =	vld [tilespmem:s30+$0xCC30]  }
0xfd: {  	v8 =	vld [tilespmem:s30+$0xCC40]  }
0xfe: {  	v12 =	vadd.f32 v12, v6;
	v6 =	vld [tilespmem:s30+$0xCC50]  }
0xff: {  	s1 =	sadd.s32 $0x200, s1;
	v11 =	vadd.f32 v11, v7;
	v7 =	vld [tilespmem:s30+$0xCC60]  }
0x100: {  	[tilespmem:s30+$0xCC00] =	vst v12;
	v5 =	vadd.f32 v5, v10;
	v10 =	vld [tilespmem:s30+$0xCC70]  }
0x101: {  	[tilespmem:s30+$0xCC10] =	vst v11;
	v4 =	vadd.f32 v4, v9  }
0x102: {  	[tilespmem:s30+$0xCC20] =	vst v5;
	v3 =	vadd.f32 v3, v8  }
0x103: {  	[tilespmem:s30+$0xCC30] =	vst v4;
	v2 =	vadd.f32 v2, v6  }
0x104: {  	[tilespmem:s30+$0xCC40] =	vst v3;
	v1 =	vadd.f32 v1, v7  }
0x105: {  	s1 =	sadd.s32 s8, s18;
	[tilespmem:s30+$0xCC50] =	vst v2;
	v0 =	vadd.f32 v0, v10  }
0x106: {  	s1 =	sshll.u32 s1, $0x4;
	[tilespmem:s30+$0xCC60] =	vst v1  }
0x107: {  	s1 =	sadd.s32 s3, s1;
	[tilespmem:s30+$0xCC70] =	vst v0  }
0x108: {  	[hbm4b:s1+s4] =	stream.linear.scatter [tilespmem:s29], [sflag:$0x7], $0x6400, $0x38;
	[tilespmem:$0x1F800] =	vst v63  }
0x109: {  	s1 =	simm.s32 @!p0 $0x6  }
0x10a: {  	_ =	swait.ge @!p0 [sflag:s1], $0x6400  }
0x10b: {  	s7 =	sadd.s32 @!p0 s8, s19;
	[sflag:s1] =	ssyncset.done @!p0 $0x0  }
0x10c: {  	[sflag:s1] =	ssyncadd.s32 @!p0 $0xFFFF9C00;
	s1 =	sshrl.u32 @!p0 s7, $0x3  }
0x10d: {  	s9 =	simm.s32 @!p0 $0x0;
	s25 =	simm.s32 @!p0 $0x100;
	s1 =	sadd.s32 @!p0 s6, s1  }
0x10e: {  	[tilespmem:s25], [sflag:$0x9] =	stream.linear.gather @!p0 [hbm4b:s1+s9], $0x68, $0x38;
	[tilespmem:$0x1F800] =	vst v63  }
0x10f: {  	s1 =	simm.s32 @!p0 $0x9  }
0x110: {  	_ =	swait.ge @!p0 [sflag:s1], $0x68  }
0x111: {  	s31 =	simm.s32 @!p0 $0x6800;
	s7 =	sadd.s32 @!p0 $0x68, s7;
	[sflag:s1] =	ssyncset.done @!p0 $0x0  }
0x112: {  	s30 =	simm.s32 @!p0 $0x68;
	s7 =	sshrl.u32 @!p0 s7, $0x3;
	[sflag:s1] =	ssyncadd.s32 @!p0 $0xFFFFFF98  }
0x113: {  	[tilespmem:s31], [sflag:$0x2] =	stream.indirect.gather @!p0 [hbm4b:s2+s30], $0x80, s25, s30, $0xb8;
	[tilespmem:$0x1F800] =	vst v63  }
0x114: {  	s7 =	sadd.s32 @!p0 s6, s7;
	s25 =	simm.s32 @!p0 $0x180  }
0x115: {  	[tilespmem:s25], [sflag:$0x9] =	stream.linear.gather @!p0 [hbm4b:s7+s9], $0x60, $0x38;
	[tilespmem:$0x1F800] =	vst v63  }
0x116: {  	_ =	swait.ge @!p0 [sflag:s1], $0x60  }
0x117: {  	[sflag:s1] =	ssyncset.done @!p0 $0x0  }
0x118: {  	s7 =	simm.s32 @!p0 $0x9C00;
	[sflag:s1] =	ssyncadd.s32 @!p0 $0xFFFFFFA0;
	s1 =	simm.s32 @!p0 $0x60  }
0x119: {  	[tilespmem:s7], [sflag:$0x2] =	stream.indirect.gather @!p0 [hbm4b:s2+s1], $0x80, s25, s1, $0xb8;
	[tilespmem:$0x1F800] =	vst v63  }
0x11a: {  	_ =	swait.ge [sflag:s15], $0x3400  }
0x11b: {  	[sflag:s15] =	ssyncset.done $0x0  }
0x11c: {  	[sflag:s15] =	ssyncadd.s32 $0xFFFFCC00  }
0x11d: {  	_ =	swait.ge [sflag:s15], $0x3000  }
0x11e: {  	[sflag:s15] =	ssyncset.done $0x0  }
0x11f: {  	s30 =	simm.s32 $0x0;
	[sflag:s15] =	ssyncadd.s32 $0xFFFFD000  }
0x120: {  	v6 =	vld [tilespmem:s30+$0x19400]  }
0x121: {  	v11 =	vld [tilespmem:s30+$0x19410]  }
0x122: {  	v5 =	vld [tilespmem:s30+$0x19420]  }
0x123: {  	v4 =	vld [tilespmem:s30+$0x19430]  }
0x124: {  	v3 =	vld [tilespmem:s30+$0x19440]  }
0x125: {  	v2 =	vld [tilespmem:s30+$0x19450]  }
0x126: {  	v1 =	vld [tilespmem:s30+$0x19460]  }
0x127: {  	v0 =	vld [tilespmem:s30+$0x19470]  }
0x128: {  	v12 =	vld [tilespmem:s30+$0x13000]  }
0x129: {  	v13 =	vld [tilespmem:s30+$0x13010]  }
0x12a: {  	v10 =	vld [tilespmem:s30+$0x13020]  }
0x12b: {  	v9 =	vld [tilespmem:s30+$0x13030]  }
0x12c: {  	v8 =	vld [tilespmem:s30+$0x13040]  }
0x12d: {  	v7 =	vld [tilespmem:s30+$0x13050];
	v12 =	vadd.f32 v6, v12  }
0x12e: {  	s1 =	simm.s32 $0x200;
	v11 =	vadd.f32 v11, v13;
	v6 =	vld [tilespmem:s30+$0x13060]  }
.LBB2_9:
0x12f: {  	s7 =	sshra.s32 s1, $0x2;
	p1 =	sne.s32 s1, $0x18E00;
	[tilespmem:s30+$0x13000] =	vst v12;
	v5 =	vadd.f32 v5, v10;
	v10 =	vld [tilespmem:s30+$0x13070]  }
0x130: {  	v12 =	vld [tilespmem:s7+$0x19400];
	[tilespmem:s30+$0x13010] =	vst v11;
	v4 =	vadd.f32 v4, v9  }
0x131: {  	v11 =	vld [tilespmem:s7+$0x19410];
	[tilespmem:s30+$0x13020] =	vst v5;
	v3 =	vadd.f32 v3, v8  }
0x132: {  	v5 =	vld [tilespmem:s7+$0x19420];
	[tilespmem:s30+$0x13030] =	vst v4;
	v2 =	vadd.f32 v2, v7  }
0x133: {  	v4 =	vld [tilespmem:s7+$0x19430];
	[tilespmem:s30+$0x13040] =	vst v3;
	v1 =	vadd.f32 v1, v6  }
0x134: {  	v3 =	vld [tilespmem:s7+$0x19440];
	[tilespmem:s30+$0x13050] =	vst v2;
	v0 =	vadd.f32 v0, v10  }
0x135: {  	v2 =	vld [tilespmem:s7+$0x19450];
	[tilespmem:s30+$0x13060] =	vst v1  }
0x136: {  	v1 =	vld [tilespmem:s7+$0x19460];
	[tilespmem:s30+$0x13070] =	vst v0;
	s30 =	smov.u32 s7  }
0x137: {  	v0 =	vld [tilespmem:s30+$0x19470]  }
0x138: {  	v6 =	vld [tilespmem:s30+$0x13000]  }
0x139: {  	v13 =	vld [tilespmem:s30+$0x13010]  }
.Ltmp5:
0x13a: {  	v10 =	vld [tilespmem:s30+$0x13020];
	(pc) =	sbr.rel @p1 .LBB2_9-.Ltmp5, $4  }
0x13b: {  	v9 =	vld [tilespmem:s30+$0x13030]  }
0x13c: {  	v8 =	vld [tilespmem:s30+$0x13040]  }
0x13d: {  	v12 =	vadd.f32 v12, v6;
	v7 =	vld [tilespmem:s30+$0x13050]  }
0x13e: {  	s1 =	sadd.s32 $0x200, s1;
	v11 =	vadd.f32 v11, v13;
	v6 =	vld [tilespmem:s30+$0x13060]  }
0x13f: {  	[tilespmem:s30+$0x13000] =	vst v12;
	v5 =	vadd.f32 v5, v10;
	v63 =	vld [tilespmem:s30+$0x13070]  }
0x140: {  	[tilespmem:s30+$0x13010] =	vst v11;
	v4 =	vadd.f32 v4, v9  }
0x141: {  	[tilespmem:s30+$0x13020] =	vst v5;
	v3 =	vadd.f32 v3, v8  }
0x142: {  	s1 =	smul.u32 $0xC8, s26;
	[tilespmem:s30+$0x13030] =	vst v4;
	v2 =	vadd.f32 v2, v7  }
.Ltmp6:
0x143: {  	[tilespmem:s30+$0x13040] =	vst v3;
	v1 =	vadd.f32 v1, v6;
	(pc) =	sbr.rel @p0 .LBB2_12-.Ltmp6, $4  }
0x144: {  	s1 =	sadd.s32 s5, s1;
	[tilespmem:s30+$0x13050] =	vst v2;
	v0 =	vadd.f32 v0, v63  }
0x145: {  	s1 =	sshll.u32 s1, $0x4;
	[tilespmem:s30+$0x13060] =	vst v1  }
0x146: {  	s1 =	sadd.s32 s3, s1;
	[tilespmem:s30+$0x13070] =	vst v0  }
0x147: {  	[hbm4b:s1+s4] =	stream.linear.scatter [tilespmem:s10], [sflag:$0x8], $0x6400, $0x38;
	[tilespmem:$0x1F800] =	vst v63  }
0x148: {  	_ =	swait.ge [sflag:s21], $0x6400;
	s1 =	sadd.s32 s8, s20  }
0x149: {  	[sflag:s21] =	ssyncset.done $0x0;
	s7 =	sshrl.u32 s1, $0x3  }
0x14a: {  	[sflag:s21] =	ssyncadd.s32 $0xFFFF9C00;
	s7 =	sadd.s32 s6, s7  }
0x14b: {  	[tilespmem:s22], [sflag:$0x9] =	stream.linear.gather [hbm4b:s7+s4], $0x68, $0x38;
	[tilespmem:$0x1F800] =	vst v63  }
0x14c: {  	_ =	swait.ge [sflag:s23], $0x68  }
0x14d: {  	s1 =	sadd.s32 $0x68, s1;
	[sflag:s23] =	ssyncset.done $0x0  }
0x14e: {  	s1 =	sshrl.u32 s1, $0x3;
	[sflag:s23] =	ssyncadd.s32 $0xFFFFFF98  }
0x14f: {  	[tilespmem:s29], [sflag:$0x3] =	stream.indirect.gather [hbm4b:s2+s24], $0x80, s22, s24, $0xb8;
	[tilespmem:$0x1F800] =	vst v63  }
0x150: {  	s1 =	sadd.s32 s6, s1  }
0x151: {  	[tilespmem:s0], [sflag:$0x9] =	stream.linear.gather [hbm4b:s1+s4], $0x60, $0x38;
	[tilespmem:$0x1F800] =	vst v63  }
.Ltmp7:
0x152: {  	_ = 	snop;
	(pc) =	sbr.rel .LBB2_2-.Ltmp7, $4  }
0x153: {  	_ =	swait.ge [sflag:s23], $0x60  }
0x154: {  	[sflag:s23] =	ssyncset.done $0x0  }
0x155: {  	s31 =	simm.s32 $0x10000;
	s11 =	sadd.s32 $0x1, s11;
	[sflag:s23] =	ssyncadd.s32 $0xFFFFFFA0  }
0x156: {  	[tilespmem:s31], [sflag:$0x3] =	stream.indirect.gather [hbm4b:s2+s28], $0x80, s0, s28, $0xb8;
	[tilespmem:$0x1F800] =	vst v63  }
.LBB2_13:
0x157: {  	_ =	sfence.sel $0x180000  }
0x158: {  	[bflag:$0x0] =	sbarrier.arrive $0xFFFF  }
0x159: {  	_ =	strace $0x90000047  }
0x15a: {  	s0 =	stileid.u32;
	[bflag:$0x2] =	sbarrier.arrive $0xFFFF  }
0x15b: {  	p0 =	sne.s32 s0, $0x0;
	s0 =	rddreg [dreg:$0x3]  }
0x15c: {  	s0 =	sadd.s32 @!p0 $0x100000, s0  }
0x15d: {  	[sflag:s0] =	ssyncadd.tile.s32 @!p0 $0x1;
	_ =	shalt  }
.Lfunc_end2:
_tile_overlayer_lowered:
.L_overlay_start_2:
0x15e: {  	(tag) =	ssettag $0x2  }
0x15f: {  	s0 =	rddreg [dreg:$0x0];
	s2 =	stileid.u32  }
0x160: {  	s1 =	rddreg [dreg:$0x1];
	p0 =	sne.s32 s2, $0x0  }
0x161: {  	s3 =	rddreg [dreg:$0x2];
	[bflag:$0x3] =	sbarrier.arrive $0xFFFF;
	s2 =	simm.s32 @!p0 $0x1C09  }
0x162: {  	[timem:s3], [sflag:s2] =	dma.local @!p0 [hbm:s0], s1  }
0x163: {  	s0 =	simm.s32 @!p0 $0x9  }
0x164: {  	_ =	swait.ge @!p0 [sflag:s0], s1  }
0x165: {  	s1 =	ssub.s32 @!p0 $0x0, s1;
	[sflag:s0] =	ssyncset.done @!p0 $0x0  }
0x166: {  	[sflag:s0] =	ssyncadd.s32 @!p0 s1  }
0x167: {  	[bflag:$0x3] =	sbarrier.arrive $0xFFFF  }
0x168: {  	_ =	shalt  }

</sc_bundles>
